<compile_context>
chip_gen: v7x
topology: tpu7x:2x2x1
jax: 0.10.2.dev20260603
libtpu: 0.0.44.dev20260713+nightly
codegen_flags: <defaults>
</compile_context>

<pallas_src>
import jax
import jax.numpy as jnp
from jax import lax
from jax.experimental import pallas as pl
from jax.experimental.pallas import tpu as pltpu
from jax.experimental.pallas import tpu_sc as plsc

_E = 64
_NW = 32
_TPW = 256
_L = 16
_G = _TPW // _L


_TB = 1024


def _gate_body(x_ref, wt_ref, p_ref, me_ref, acc_ref):
    i = pl.program_id(0)

    @pl.when(i == 0)
    def _init():
        acc_ref[...] = jnp.zeros_like(acc_ref)

    logits = jnp.dot(x_ref[...], wt_ref[...],
                     preferred_element_type=jnp.float32)
    m = jnp.max(logits, axis=-1, keepdims=True)
    ex = jnp.exp(logits - m)
    s = jnp.sum(ex, axis=-1, keepdims=True)
    p = ex / s
    p_ref[...] = p.T
    acc_ref[...] += jnp.sum(p, axis=0, keepdims=True)

    @pl.when(i == pl.num_programs(0) - 1)
    def _fini():
        me_ref[...] = acc_ref[...]


def _tc_gate(xf, wt):
    n, d = xf.shape
    return pl.pallas_call(
        _gate_body,
        grid=(n // _TB,),
        in_specs=[
            pl.BlockSpec((_TB, d), lambda i: (i, 0)),
            pl.BlockSpec((d, _E), lambda i: (0, 0)),
        ],
        out_specs=[
            pl.BlockSpec((_E, _TB), lambda i: (0, i)),
            pl.BlockSpec((1, _E), lambda i: (0, 0)),
        ],
        out_shape=[
            jax.ShapeDtypeStruct((_E, n), jnp.float32),
            jax.ShapeDtypeStruct((1, _E), jnp.float32),
        ],
        scratch_shapes=[pltpu.VMEM((1, _E), jnp.float32)],
    )(xf, wt)


def _route_body(p_hbm, imp_hbm, ind_hbm, ce_hbm,
                lg, impv, indv, cebuf, sem):
    wid = lax.axis_index("s") * 2 + lax.axis_index("c")
    base = wid * _TPW
    cin = pltpu.async_copy(p_hbm.at[:, pl.ds(base, _TPW)], lg, sem)

    zeros = jnp.zeros((_L,), jnp.float32)

    def _zero_tiles(j, c):
        for g in range(_G):
            impv[j, pl.ds(g * _L, _L)] = zeros
            indv[j, pl.ds(g * _L, _L)] = zeros
        cebuf[j, :] = zeros
        return c

    lax.fori_loop(0, _E, _zero_tiles, 0)
    cin.wait()

    lane = lax.iota(jnp.int32, _L)
    ones = jnp.ones((_L,), jnp.float32)
    izeros = jnp.zeros((_L,), jnp.int32)

    def _group_pair(j, c):
        g0 = j * 2
        g1 = g0 + 1
        col0 = g0 * _L + lane
        col1 = g1 * _L + lane

        def _estep(eo, carry):
            m1a, m2a, a1a, a2a, m1b, m2b, a1b, a2b = carry
            for eu in range(8):
                e = eo * 8 + eu
                va = lg[e, pl.ds(g0 * _L, _L)]
                vb = lg[e, pl.ds(g1 * _L, _L)]
                gt1a = va > m1a
                gt2a = va > m2a
                m2a = jnp.where(gt1a, m1a, jnp.where(gt2a, va, m2a))
                a2a = jnp.where(gt1a, a1a, jnp.where(gt2a, e, a2a))
                m1a = jnp.where(gt1a, va, m1a)
                a1a = jnp.where(gt1a, e, a1a)
                gt1b = vb > m1b
                gt2b = vb > m2b
                m2b = jnp.where(gt1b, m1b, jnp.where(gt2b, vb, m2b))
                a2b = jnp.where(gt1b, a1b, jnp.where(gt2b, e, a2b))
                m1b = jnp.where(gt1b, vb, m1b)
                a1b = jnp.where(gt1b, e, a1b)
            return (m1a, m2a, a1a, a2a, m1b, m2b, a1b, a2b)

        neg = jnp.full((_L,), -1.0, jnp.float32)
        m1a, m2a, a1a, a2a, m1b, m2b, a1b, a2b = lax.fori_loop(
            0, _E // 8, _estep,
            (neg, neg, izeros, izeros, neg, neg, izeros, izeros))

        plsc.store_scatter(impv, [a1a, col0], m1a)
        plsc.store_scatter(impv, [a2a, col0], m2a)
        plsc.store_scatter(indv, [a1a, col0], ones)
        plsc.store_scatter(indv, [a2a, col0], ones)
        plsc.store_scatter(impv, [a1b, col1], m1b)
        plsc.store_scatter(impv, [a2b, col1], m2b)
        plsc.store_scatter(indv, [a1b, col1], ones)
        plsc.store_scatter(indv, [a2b, col1], ones)
        plsc.addupdate_scatter(cebuf, [a1a, lane], ones)
        plsc.addupdate_scatter(cebuf, [a1b, lane], ones)
        return c

    lax.fori_loop(0, _G // 2, _group_pair, 0)

    c1 = pltpu.async_copy(impv, imp_hbm.at[:, pl.ds(base, _TPW)], sem)
    c2 = pltpu.async_copy(indv, ind_hbm.at[:, pl.ds(base, _TPW)], sem)
    c1.wait()
    c2.wait()
    pltpu.sync_copy(cebuf, ce_hbm.at[wid])


_SC_MESH = plsc.VectorSubcoreMesh(
    core_axis_name="c", subcore_axis_name="s", num_cores=2, num_subcores=16)

_sc_route = pl.kernel(
    _route_body,
    out_type=[
        jax.ShapeDtypeStruct((_E, _NW * _TPW), jnp.float32),
        jax.ShapeDtypeStruct((_E, _NW * _TPW), jnp.float32),
        jax.ShapeDtypeStruct((_NW, _E, _L), jnp.float32),
    ],
    mesh=_SC_MESH,
    scratch_types=[
        pltpu.VMEM((_E, _TPW), jnp.float32),
        pltpu.VMEM((_E, _TPW), jnp.float32),
        pltpu.VMEM((_E, _TPW), jnp.float32),
        pltpu.VMEM((_E, _L), jnp.float32),
        pltpu.SemaphoreType.DMA,
    ],
    compiler_params=pltpu.CompilerParams(needs_layout_passes=False),
)


def kernel(x, W):
    B, S, D = x.shape
    n = B * S
    xf = x.reshape(n, D)
    p3, me_sum = _tc_gate(xf, W.T)
    imp3, ind3, ce_p = _sc_route(p3)
    imp = imp3.reshape(_E, B, S, 1)
    ind = ind3.reshape(_E, B, S, 1)
    ce = jnp.sum(ce_p, axis=(0, 2))
    loss = jnp.sum(me_sum[0] * ce) * (_E / float(n * n))
    return imp, ind, loss

# --- scband reference (transcript-rebuilt; emitter-appended) ---
"""Pipeline reference for scband-moerouter-80951543595521 (READ-ONLY COPY).

The authoritative reference and input builder live on the scoring server;
editing this copy changes nothing except your own understanding.
"""

import jax, jax.numpy as jnp
import numpy as np

NUM_EXPERTS = 64
TOP_K = 2
BATCH = 4
SEQ = 2048
D_MODEL = 2048


def setup_inputs(seed: int = 0) -> dict:
    key = jax.random.key(seed)
    k1, k2 = jax.random.split(key)
    x = jax.random.normal(k1, (BATCH, SEQ, D_MODEL), dtype=jnp.float32)
    # gate is a single linear projection d_model -> num_experts (standard 'top' gate)
    W = jax.random.normal(k2, (NUM_EXPERTS, D_MODEL), dtype=jnp.float32) * (1.0 / np.sqrt(D_MODEL))
    return {"x": x, "W": W}


def reference(x, W):
    E = W.shape[0]
    k = TOP_K
    # gate forward: logits = Linear(x)  -> [B, S, E]
    logits = jnp.einsum('bsd,ed->bse', x, W)
    # eval mode, gate_noise=0 => logits_w_noise == logits
    # topk_routing:
    scores = jax.nn.softmax(logits, axis=-1)
    topk_values, topk_indices = jax.lax.top_k(scores, k)
    B, S, _ = scores.shape
    # gshard aux loss: l = E * sum_e(mean_e(gates) * mean_e(top1 one-hot))
    flat_scores = scores.reshape(-1, E)
    top1 = topk_indices[..., 0].reshape(-1)
    mask = jax.nn.one_hot(top1, E, dtype=scores.dtype)
    me = jnp.mean(flat_scores, axis=0)
    ce = jnp.mean(mask, axis=0)
    l_loss = jnp.sum(me * ce) * E
    # scatter_values_3d: zeros[B,S,E] scattered along last dim at topk_indices
    b_idx = jnp.arange(B)[:, None, None]
    s_idx = jnp.arange(S)[None, :, None]
    imp = jnp.zeros((B, S, E), scores.dtype).at[b_idx, s_idx, topk_indices].set(topk_values)
    ind = jnp.zeros((B, S, E), scores.dtype).at[b_idx, s_idx, topk_indices].set(1.0)
    # permute(2,0,1).unsqueeze(-1) -> [E, B, S, 1]
    imp = jnp.transpose(imp, (2, 0, 1))[..., None]
    ind = jnp.transpose(ind, (2, 0, 1))[..., None]
    return imp, ind, l_loss

if __name__ == "__main__":
    import jax
    _d = setup_inputs()
    print(jax.jit(kernel)(*tuple(_d.values())))

</pallas_src>

<mosaic_0001>
#map = affine_map<(d0, d1) -> (0, 0)>
#map1 = affine_map<(d0, d1) -> (0, 0, 0)>
module attributes {stable_mosaic.version = 14 : i64} {
  func.func @_route_body(%arg0: i32, %arg1: i32, %arg2: memref<64x8192xf32, #tpu.memory_space<hbm>>, %arg3: memref<64x8192xf32, #tpu.memory_space<hbm>>, %arg4: memref<64x8192xf32, #tpu.memory_space<hbm>>, %arg5: memref<32x64x16xf32, #tpu.memory_space<hbm>>, %arg6: memref<64x256xf32, #tpu.memory_space<vmem>>, %arg7: memref<64x256xf32, #tpu.memory_space<vmem>>, %arg8: memref<64x256xf32, #tpu.memory_space<vmem>>, %arg9: memref<64x16xf32, #tpu.memory_space<vmem>>, %arg10: memref<!tpu.dma_semaphore, #tpu.memory_space<semaphore_mem>>) attributes {dimension_semantics = [#tpu.dimension_semantics<core_parallel>, #tpu.dimension_semantics<subcore_parallel>], iteration_bounds = array<i64: 2, 16>, scalar_prefetch = 0 : i64, scratch_operands = 5 : i64, tpu.core_type = #tpu.core_type<sc_vector_subcore>, window_params = [{transform_indices = #map}, {transform_indices = #map}, {transform_indices = #map}, {transform_indices = #map1}]} {
    %mul3A = arith.constant 2 : i32
    %mul3A_0 = arith.muli %arg1, %mul3A : i32
    %add3A = arith.addi %mul3A_0, %arg0 : i32
    %mul3A_1 = arith.constant 256 : i32
    %mul3A_2 = arith.muli %add3A, %mul3A_1 : i32
    %dma_start3A = arith.constant 0 : i32
    %dma_start3A_3 = tpu.memref_slice %arg2[%dma_start3A, %mul3A_2] : memref<64x8192xf32, #tpu.memory_space<hbm>> -> memref<64x256xf32, #tpu.memory_space<hbm>>
    %dma_start3A_4 = arith.constant 0 : i32
    %dma_start3A_5 = tpu.memref_slice %arg2[%dma_start3A_4, %mul3A_2] : memref<64x8192xf32, #tpu.memory_space<hbm>> -> memref<64x256xf32, #tpu.memory_space<hbm>>
    tpu.enqueue_dma source(%dma_start3A_5 : memref<64x256xf32, #tpu.memory_space<hbm>>) target(%arg6 : memref<64x256xf32, #tpu.memory_space<vmem>>) target_semaphore(%arg10 : memref<!tpu.dma_semaphore, #tpu.memory_space<semaphore_mem>>)
    %broadcast_in_dim3A = arith.constant 0.000000e+00 : f32
    %broadcast_in_dim3A_6 = vector.broadcast %broadcast_in_dim3A : f32 to vector<16xf32>
    %scan3A = arith.constant 0 : i32
    %scan3A_7 = arith.constant 0 : i32
    %scan3A_8 = arith.constant 64 : i32
    %scan3A_9 = arith.addi %scan3A_7, %scan3A_8 : i32
    %scan3A_10 = arith.constant 1 : i32
    scf.for %scan3A_41 = %scan3A_7 to %scan3A_9 step %scan3A_10  : i32 {
      %swap3A = arith.index_cast %scan3A_41 : i32 to index
      %swap3A_42 = arith.constant 0 : index
      %swap3A_43 = tpu.vector_load %arg7[%swap3A, %swap3A_42] {strides = array<i32>} : memref<64x256xf32, #tpu.memory_space<vmem>>, vector<16xf32>,
      tpu.vector_store %arg7[%swap3A, %swap3A_42], %broadcast_in_dim3A_6 {strides = array<i32>} : memref<64x256xf32, #tpu.memory_space<vmem>>, vector<16xf32>,
      %swap3A_44 = arith.index_cast %scan3A_41 : i32 to index
      %swap3A_45 = arith.constant 0 : index
      %swap3A_46 = tpu.vector_load %arg8[%swap3A_44, %swap3A_45] {strides = array<i32>} : memref<64x256xf32, #tpu.memory_space<vmem>>, vector<16xf32>,
      tpu.vector_store %arg8[%swap3A_44, %swap3A_45], %broadcast_in_dim3A_6 {strides = array<i32>} : memref<64x256xf32, #tpu.memory_space<vmem>>, vector<16xf32>,
      %swap3A_47 = arith.index_cast %scan3A_41 : i32 to index
      %swap3A_48 = arith.constant 16 : index
      %swap3A_49 = tpu.vector_load %arg7[%swap3A_47, %swap3A_48] {strides = array<i32>} : memref<64x256xf32, #tpu.memory_space<vmem>>, vector<16xf32>,
      tpu.vector_store %arg7[%swap3A_47, %swap3A_48], %broadcast_in_dim3A_6 {strides = array<i32>} : memref<64x256xf32, #tpu.memory_space<vmem>>, vector<16xf32>,
      %swap3A_50 = arith.index_cast %scan3A_41 : i32 to index
      %swap3A_51 = arith.constant 16 : index
      %swap3A_52 = tpu.vector_load %arg8[%swap3A_50, %swap3A_51] {strides = array<i32>} : memref<64x256xf32, #tpu.memory_space<vmem>>, vector<16xf32>,
      tpu.vector_store %arg8[%swap3A_50, %swap3A_51], %broadcast_in_dim3A_6 {strides = array<i32>} : memref<64x256xf32, #tpu.memory_space<vmem>>, vector<16xf32>,
      %swap3A_53 = arith.index_cast %scan3A_41 : i32 to index
      %swap3A_54 = arith.constant 32 : index
      %swap3A_55 = tpu.vector_load %arg7[%swap3A_53, %swap3A_54] {strides = array<i32>} : memref<64x256xf32, #tpu.memory_space<vmem>>, vector<16xf32>,
      tpu.vector_store %arg7[%swap3A_53, %swap3A_54], %broadcast_in_dim3A_6 {strides = array<i32>} : memref<64x256xf32, #tpu.memory_space<vmem>>, vector<16xf32>,
      %swap3A_56 = arith.index_cast %scan3A_41 : i32 to index
      %swap3A_57 = arith.constant 32 : index
      %swap3A_58 = tpu.vector_load %arg8[%swap3A_56, %swap3A_57] {strides = array<i32>} : memref<64x256xf32, #tpu.memory_space<vmem>>, vector<16xf32>,
      tpu.vector_store %arg8[%swap3A_56, %swap3A_57], %broadcast_in_dim3A_6 {strides = array<i32>} : memref<64x256xf32, #tpu.memory_space<vmem>>, vector<16xf32>,
      %swap3A_59 = arith.index_cast %scan3A_41 : i32 to index
      %swap3A_60 = arith.constant 48 : index
      %swap3A_61 = tpu.vector_load %arg7[%swap3A_59, %swap3A_60] {strides = array<i32>} : memref<64x256xf32, #tpu.memory_space<vmem>>, vector<16xf32>,
      tpu.vector_store %arg7[%swap3A_59, %swap3A_60], %broadcast_in_dim3A_6 {strides = array<i32>} : memref<64x256xf32, #tpu.memory_space<vmem>>, vector<16xf32>,
      %swap3A_62 = arith.index_cast %scan3A_41 : i32 to index
      %swap3A_63 = arith.constant 48 : index
      %swap3A_64 = tpu.vector_load %arg8[%swap3A_62, %swap3A_63] {strides = array<i32>} : memref<64x256xf32, #tpu.memory_space<vmem>>, vector<16xf32>,
      tpu.vector_store %arg8[%swap3A_62, %swap3A_63], %broadcast_in_dim3A_6 {strides = array<i32>} : memref<64x256xf32, #tpu.memory_space<vmem>>, vector<16xf32>,
      %swap3A_65 = arith.index_cast %scan3A_41 : i32 to index
      %swap3A_66 = arith.constant 64 : index
      %swap3A_67 = tpu.vector_load %arg7[%swap3A_65, %swap3A_66] {strides = array<i32>} : memref<64x256xf32, #tpu.memory_space<vmem>>, vector<16xf32>,
      tpu.vector_store %arg7[%swap3A_65, %swap3A_66], %broadcast_in_dim3A_6 {strides = array<i32>} : memref<64x256xf32, #tpu.memory_space<vmem>>, vector<16xf32>,
      %swap3A_68 = arith.index_cast %scan3A_41 : i32 to index
      %swap3A_69 = arith.constant 64 : index
      %swap3A_70 = tpu.vector_load %arg8[%swap3A_68, %swap3A_69] {strides = array<i32>} : memref<64x256xf32, #tpu.memory_space<vmem>>, vector<16xf32>,
      tpu.vector_store %arg8[%swap3A_68, %swap3A_69], %broadcast_in_dim3A_6 {strides = array<i32>} : memref<64x256xf32, #tpu.memory_space<vmem>>, vector<16xf32>,
      %swap3A_71 = arith.index_cast %scan3A_41 : i32 to index
      %swap3A_72 = arith.constant 80 : index
      %swap3A_73 = tpu.vector_load %arg7[%swap3A_71, %swap3A_72] {strides = array<i32>} : memref<64x256xf32, #tpu.memory_space<vmem>>, vector<16xf32>,
      tpu.vector_store %arg7[%swap3A_71, %swap3A_72], %broadcast_in_dim3A_6 {strides = array<i32>} : memref<64x256xf32, #tpu.memory_space<vmem>>, vector<16xf32>,
      %swap3A_74 = arith.index_cast %scan3A_41 : i32 to index
      %swap3A_75 = arith.constant 80 : index
      %swap3A_76 = tpu.vector_load %arg8[%swap3A_74, %swap3A_75] {strides = array<i32>} : memref<64x256xf32, #tpu.memory_space<vmem>>, vector<16xf32>,
      tpu.vector_store %arg8[%swap3A_74, %swap3A_75], %broadcast_in_dim3A_6 {strides = array<i32>} : memref<64x256xf32, #tpu.memory_space<vmem>>, vector<16xf32>,
      %swap3A_77 = arith.index_cast %scan3A_41 : i32 to index
      %swap3A_78 = arith.constant 96 : index
      %swap3A_79 = tpu.vector_load %arg7[%swap3A_77, %swap3A_78] {strides = array<i32>} : memref<64x256xf32, #tpu.memory_space<vmem>>, vector<16xf32>,
      tpu.vector_store %arg7[%swap3A_77, %swap3A_78], %broadcast_in_dim3A_6 {strides = array<i32>} : memref<64x256xf32, #tpu.memory_space<vmem>>, vector<16xf32>,
      %swap3A_80 = arith.index_cast %scan3A_41 : i32 to index
      %swap3A_81 = arith.constant 96 : index
      %swap3A_82 = tpu.vector_load %arg8[%swap3A_80, %swap3A_81] {strides = array<i32>} : memref<64x256xf32, #tpu.memory_space<vmem>>, vector<16xf32>,
      tpu.vector_store %arg8[%swap3A_80, %swap3A_81], %broadcast_in_dim3A_6 {strides = array<i32>} : memref<64x256xf32, #tpu.memory_space<vmem>>, vector<16xf32>,
      %swap3A_83 = arith.index_cast %scan3A_41 : i32 to index
      %swap3A_84 = arith.constant 112 : index
      %swap3A_85 = tpu.vector_load %arg7[%swap3A_83, %swap3A_84] {strides = array<i32>} : memref<64x256xf32, #tpu.memory_space<vmem>>, vector<16xf32>,
      tpu.vector_store %arg7[%swap3A_83, %swap3A_84], %broadcast_in_dim3A_6 {strides = array<i32>} : memref<64x256xf32, #tpu.memory_space<vmem>>, vector<16xf32>,
      %swap3A_86 = arith.index_cast %scan3A_41 : i32 to index
      %swap3A_87 = arith.constant 112 : index
      %swap3A_88 = tpu.vector_load %arg8[%swap3A_86, %swap3A_87] {strides = array<i32>} : memref<64x256xf32, #tpu.memory_space<vmem>>, vector<16xf32>,
      tpu.vector_store %arg8[%swap3A_86, %swap3A_87], %broadcast_in_dim3A_6 {strides = array<i32>} : memref<64x256xf32, #tpu.memory_space<vmem>>, vector<16xf32>,
      %swap3A_89 = arith.index_cast %scan3A_41 : i32 to index
      %swap3A_90 = arith.constant 128 : index
      %swap3A_91 = tpu.vector_load %arg7[%swap3A_89, %swap3A_90] {strides = array<i32>} : memref<64x256xf32, #tpu.memory_space<vmem>>, vector<16xf32>,
      tpu.vector_store %arg7[%swap3A_89, %swap3A_90], %broadcast_in_dim3A_6 {strides = array<i32>} : memref<64x256xf32, #tpu.memory_space<vmem>>, vector<16xf32>,
      %swap3A_92 = arith.index_cast %scan3A_41 : i32 to index
      %swap3A_93 = arith.constant 128 : index
      %swap3A_94 = tpu.vector_load %arg8[%swap3A_92, %swap3A_93] {strides = array<i32>} : memref<64x256xf32, #tpu.memory_space<vmem>>, vector<16xf32>,
      tpu.vector_store %arg8[%swap3A_92, %swap3A_93], %broadcast_in_dim3A_6 {strides = array<i32>} : memref<64x256xf32, #tpu.memory_space<vmem>>, vector<16xf32>,
      %swap3A_95 = arith.index_cast %scan3A_41 : i32 to index
      %swap3A_96 = arith.constant 144 : index
      %swap3A_97 = tpu.vector_load %arg7[%swap3A_95, %swap3A_96] {strides = array<i32>} : memref<64x256xf32, #tpu.memory_space<vmem>>, vector<16xf32>,
      tpu.vector_store %arg7[%swap3A_95, %swap3A_96], %broadcast_in_dim3A_6 {strides = array<i32>} : memref<64x256xf32, #tpu.memory_space<vmem>>, vector<16xf32>,
      %swap3A_98 = arith.index_cast %scan3A_41 : i32 to index
      %swap3A_99 = arith.constant 144 : index
      %swap3A_100 = tpu.vector_load %arg8[%swap3A_98, %swap3A_99] {strides = array<i32>} : memref<64x256xf32, #tpu.memory_space<vmem>>, vector<16xf32>,
      tpu.vector_store %arg8[%swap3A_98, %swap3A_99], %broadcast_in_dim3A_6 {strides = array<i32>} : memref<64x256xf32, #tpu.memory_space<vmem>>, vector<16xf32>,
      %swap3A_101 = arith.index_cast %scan3A_41 : i32 to index
      %swap3A_102 = arith.constant 160 : index
      %swap3A_103 = tpu.vector_load %arg7[%swap3A_101, %swap3A_102] {strides = array<i32>} : memref<64x256xf32, #tpu.memory_space<vmem>>, vector<16xf32>,
      tpu.vector_store %arg7[%swap3A_101, %swap3A_102], %broadcast_in_dim3A_6 {strides = array<i32>} : memref<64x256xf32, #tpu.memory_space<vmem>>, vector<16xf32>,
      %swap3A_104 = arith.index_cast %scan3A_41 : i32 to index
      %swap3A_105 = arith.constant 160 : index
      %swap3A_106 = tpu.vector_load %arg8[%swap3A_104, %swap3A_105] {strides = array<i32>} : memref<64x256xf32, #tpu.memory_space<vmem>>, vector<16xf32>,
      tpu.vector_store %arg8[%swap3A_104, %swap3A_105], %broadcast_in_dim3A_6 {strides = array<i32>} : memref<64x256xf32, #tpu.memory_space<vmem>>, vector<16xf32>,
      %swap3A_107 = arith.index_cast %scan3A_41 : i32 to index
      %swap3A_108 = arith.constant 176 : index
      %swap3A_109 = tpu.vector_load %arg7[%swap3A_107, %swap3A_108] {strides = array<i32>} : memref<64x256xf32, #tpu.memory_space<vmem>>, vector<16xf32>,
      tpu.vector_store %arg7[%swap3A_107, %swap3A_108], %broadcast_in_dim3A_6 {strides = array<i32>} : memref<64x256xf32, #tpu.memory_space<vmem>>, vector<16xf32>,
      %swap3A_110 = arith.index_cast %scan3A_41 : i32 to index
      %swap3A_111 = arith.constant 176 : index
      %swap3A_112 = tpu.vector_load %arg8[%swap3A_110, %swap3A_111] {strides = array<i32>} : memref<64x256xf32, #tpu.memory_space<vmem>>, vector<16xf32>,
      tpu.vector_store %arg8[%swap3A_110, %swap3A_111], %broadcast_in_dim3A_6 {strides = array<i32>} : memref<64x256xf32, #tpu.memory_space<vmem>>, vector<16xf32>,
      %swap3A_113 = arith.index_cast %scan3A_41 : i32 to index
      %swap3A_114 = arith.constant 192 : index
      %swap3A_115 = tpu.vector_load %arg7[%swap3A_113, %swap3A_114] {strides = array<i32>} : memref<64x256xf32, #tpu.memory_space<vmem>>, vector<16xf32>,
      tpu.vector_store %arg7[%swap3A_113, %swap3A_114], %broadcast_in_dim3A_6 {strides = array<i32>} : memref<64x256xf32, #tpu.memory_space<vmem>>, vector<16xf32>,
      %swap3A_116 = arith.index_cast %scan3A_41 : i32 to index
      %swap3A_117 = arith.constant 192 : index
      %swap3A_118 = tpu.vector_load %arg8[%swap3A_116, %swap3A_117] {strides = array<i32>} : memref<64x256xf32, #tpu.memory_space<vmem>>, vector<16xf32>,
      tpu.vector_store %arg8[%swap3A_116, %swap3A_117], %broadcast_in_dim3A_6 {strides = array<i32>} : memref<64x256xf32, #tpu.memory_space<vmem>>, vector<16xf32>,
      %swap3A_119 = arith.index_cast %scan3A_41 : i32 to index
      %swap3A_120 = arith.constant 208 : index
      %swap3A_121 = tpu.vector_load %arg7[%swap3A_119, %swap3A_120] {strides = array<i32>} : memref<64x256xf32, #tpu.memory_space<vmem>>, vector<16xf32>,
      tpu.vector_store %arg7[%swap3A_119, %swap3A_120], %broadcast_in_dim3A_6 {strides = array<i32>} : memref<64x256xf32, #tpu.memory_space<vmem>>, vector<16xf32>,
      %swap3A_122 = arith.index_cast %scan3A_41 : i32 to index
      %swap3A_123 = arith.constant 208 : index
      %swap3A_124 = tpu.vector_load %arg8[%swap3A_122, %swap3A_123] {strides = array<i32>} : memref<64x256xf32, #tpu.memory_space<vmem>>, vector<16xf32>,
      tpu.vector_store %arg8[%swap3A_122, %swap3A_123], %broadcast_in_dim3A_6 {strides = array<i32>} : memref<64x256xf32, #tpu.memory_space<vmem>>, vector<16xf32>,
      %swap3A_125 = arith.index_cast %scan3A_41 : i32 to index
      %swap3A_126 = arith.constant 224 : index
      %swap3A_127 = tpu.vector_load %arg7[%swap3A_125, %swap3A_126] {strides = array<i32>} : memref<64x256xf32, #tpu.memory_space<vmem>>, vector<16xf32>,
      tpu.vector_store %arg7[%swap3A_125, %swap3A_126], %broadcast_in_dim3A_6 {strides = array<i32>} : memref<64x256xf32, #tpu.memory_space<vmem>>, vector<16xf32>,
      %swap3A_128 = arith.index_cast %scan3A_41 : i32 to index
      %swap3A_129 = arith.constant 224 : index
      %swap3A_130 = tpu.vector_load %arg8[%swap3A_128, %swap3A_129] {strides = array<i32>} : memref<64x256xf32, #tpu.memory_space<vmem>>, vector<16xf32>,
      tpu.vector_store %arg8[%swap3A_128, %swap3A_129], %broadcast_in_dim3A_6 {strides = array<i32>} : memref<64x256xf32, #tpu.memory_space<vmem>>, vector<16xf32>,
      %swap3A_131 = arith.index_cast %scan3A_41 : i32 to index
      %swap3A_132 = arith.constant 240 : index
      %swap3A_133 = tpu.vector_load %arg7[%swap3A_131, %swap3A_132] {strides = array<i32>} : memref<64x256xf32, #tpu.memory_space<vmem>>, vector<16xf32>,
      tpu.vector_store %arg7[%swap3A_131, %swap3A_132], %broadcast_in_dim3A_6 {strides = array<i32>} : memref<64x256xf32, #tpu.memory_space<vmem>>, vector<16xf32>,
      %swap3A_134 = arith.index_cast %scan3A_41 : i32 to index
      %swap3A_135 = arith.constant 240 : index
      %swap3A_136 = tpu.vector_load %arg8[%swap3A_134, %swap3A_135] {strides = array<i32>} : memref<64x256xf32, #tpu.memory_space<vmem>>, vector<16xf32>,
      tpu.vector_store %arg8[%swap3A_134, %swap3A_135], %broadcast_in_dim3A_6 {strides = array<i32>} : memref<64x256xf32, #tpu.memory_space<vmem>>, vector<16xf32>,
      %swap3A_137 = arith.index_cast %scan3A_41 : i32 to index
      %swap3A_138 = arith.constant 0 : index
      %swap3A_139 = tpu.vector_load %arg9[%swap3A_137, %swap3A_138] {strides = array<i32>} : memref<64x16xf32, #tpu.memory_space<vmem>>, vector<16xf32>,
      tpu.vector_store %arg9[%swap3A_137, %swap3A_138], %broadcast_in_dim3A_6 {strides = array<i32>} : memref<64x16xf32, #tpu.memory_space<vmem>>, vector<16xf32>,
    }
    %scan3A_11 = arith.constant 64 : i32
    %dma_wait3A = arith.constant 0 : i32
    %dma_wait3A_12 = tpu.memref_slice %arg2[%dma_wait3A, %mul3A_2] : memref<64x8192xf32, #tpu.memory_space<hbm>> -> memref<64x256xf32, #tpu.memory_space<hbm>>
    %dma_wait3A_13 = arith.constant 0 : i32
    %dma_wait3A_14 = tpu.memref_slice %arg2[%dma_wait3A_13, %mul3A_2] : memref<64x8192xf32, #tpu.memory_space<hbm>> -> memref<64x256xf32, #tpu.memory_space<hbm>>
    tpu.wait_dma2 semaphore(%arg10 : memref<!tpu.dma_semaphore, #tpu.memory_space<semaphore_mem>>) src(%dma_wait3A_14 : memref<64x256xf32, #tpu.memory_space<hbm>>) dst(%arg6 : memref<64x256xf32, #tpu.memory_space<vmem>>)
    %iota3A = tpu.iota {dimensions = array<i32: 0>} : vector<16xi32>
    %broadcast_in_dim3A_15 = arith.constant 1.000000e+00 : f32
    %broadcast_in_dim3A_16 = vector.broadcast %broadcast_in_dim3A_15 : f32 to vector<16xf32>
    %broadcast_in_dim3A_17 = arith.constant 0 : i32
    %broadcast_in_dim3A_18 = vector.broadcast %broadcast_in_dim3A_17 : i32 to vector<16xi32>
    %scan3A_19 = arith.constant 0 : i32
    %scan3A_20 = arith.constant 0 : i32
    %scan3A_21 = arith.constant 8 : i32
    %scan3A_22 = arith.addi %scan3A_20, %scan3A_21 : i32
    %scan3A_23 = arith.constant 1 : i32
    scf.for %scan3A_41 = %scan3A_20 to %scan3A_22 step %scan3A_23  : i32 {
      %mul3A_42 = arith.constant 2 : i32
      %mul3A_43 = arith.muli %scan3A_41, %mul3A_42 : i32
      %add3A_44 = arith.constant 1 : i32
      %add3A_45 = arith.addi %mul3A_43, %add3A_44 : i32
      %mul3A_46 = arith.constant 16 : i32
      %mul3A_47 = arith.muli %mul3A_43, %mul3A_46 : i32
      %add3A_48 = vector.broadcast %mul3A_47 : i32 to vector<16xi32>
      %add3A_49 = arith.addi %add3A_48, %iota3A : vector<16xi32>
      %mul3A_50 = arith.constant 16 : i32
      %mul3A_51 = arith.muli %add3A_45, %mul3A_50 : i32
      %add3A_52 = vector.broadcast %mul3A_51 : i32 to vector<16xi32>
      %add3A_53 = arith.addi %add3A_52, %iota3A : vector<16xi32>
      %broadcast_in_dim3A_54 = arith.constant -1.000000e+00 : f32
      %broadcast_in_dim3A_55 = vector.broadcast %broadcast_in_dim3A_54 : f32 to vector<16xf32>
      %scan3A_56 = arith.constant 0 : i32
      %scan3A_57 = arith.constant 8 : i32
      %scan3A_58 = arith.addi %scan3A_56, %scan3A_57 : i32
      %scan3A_59 = arith.constant 1 : i32
      %scan3A_60:8 = scf.for %scan3A_62 = %scan3A_56 to %scan3A_58 step %scan3A_59 iter_args(%scan3A_63 = %broadcast_in_dim3A_55, %scan3A_64 = %broadcast_in_dim3A_55, %scan3A_65 = %broadcast_in_dim3A_18, %scan3A_66 = %broadcast_in_dim3A_18, %scan3A_67 = %broadcast_in_dim3A_55, %scan3A_68 = %broadcast_in_dim3A_55, %scan3A_69 = %broadcast_in_dim3A_18, %scan3A_70 = %broadcast_in_dim3A_18) -> (vector<16xf32>, vector<16xf32>, vector<16xi32>, vector<16xi32>, vector<16xf32>, vector<16xf32>, vector<16xi32>, vector<16xi32>)  : i32 {
        %mul3A_71 = arith.constant 8 : i32
        %mul3A_72 = arith.muli %scan3A_62, %mul3A_71 : i32
        %add3A_73 = arith.constant 0 : i32
        %add3A_74 = arith.addi %mul3A_72, %add3A_73 : i32
        %mul3A_75 = arith.constant 16 : i32
        %mul3A_76 = arith.muli %mul3A_43, %mul3A_75 : i32
        %get3A = arith.index_cast %add3A_74 : i32 to index
        %get3A_77 = arith.index_cast %mul3A_76 : i32 to index
        %get3A_78 = tpu.vector_load %arg6[%get3A, %get3A_77] {strides = array<i32>} : memref<64x256xf32, #tpu.memory_space<vmem>>, vector<16xf32>,
        %mul3A_79 = arith.constant 16 : i32
        %mul3A_80 = arith.muli %add3A_45, %mul3A_79 : i32
        %get3A_81 = arith.index_cast %add3A_74 : i32 to index
        %get3A_82 = arith.index_cast %mul3A_80 : i32 to index
        %get3A_83 = tpu.vector_load %arg6[%get3A_81, %get3A_82] {strides = array<i32>} : memref<64x256xf32, #tpu.memory_space<vmem>>, vector<16xf32>,
        %gt3A = arith.cmpf ogt, %get3A_78, %scan3A_63 : vector<16xf32>
        %gt3A_84 = arith.cmpf ogt, %get3A_78, %scan3A_64 : vector<16xf32>
        %select_n3A = arith.select %gt3A_84, %get3A_78, %scan3A_64 : vector<16xi1>, vector<16xf32>
        %select_n3A_85 = arith.select %gt3A, %scan3A_63, %select_n3A : vector<16xi1>, vector<16xf32>
        %broadcast_in_dim3A_86 = vector.broadcast %add3A_74 : i32 to vector<16xi32>
        %select_n3A_87 = arith.select %gt3A_84, %broadcast_in_dim3A_86, %scan3A_66 : vector<16xi1>, vector<16xi32>
        %select_n3A_88 = arith.select %gt3A, %scan3A_65, %select_n3A_87 : vector<16xi1>, vector<16xi32>
        %select_n3A_89 = arith.select %gt3A, %get3A_78, %scan3A_63 : vector<16xi1>, vector<16xf32>
        %broadcast_in_dim3A_90 = vector.broadcast %add3A_74 : i32 to vector<16xi32>
        %select_n3A_91 = arith.select %gt3A, %broadcast_in_dim3A_90, %scan3A_65 : vector<16xi1>, vector<16xi32>
        %gt3A_92 = arith.cmpf ogt, %get3A_83, %scan3A_67 : vector<16xf32>
        %gt3A_93 = arith.cmpf ogt, %get3A_83, %scan3A_68 : vector<16xf32>
        %select_n3A_94 = arith.select %gt3A_93, %get3A_83, %scan3A_68 : vector<16xi1>, vector<16xf32>
        %select_n3A_95 = arith.select %gt3A_92, %scan3A_67, %select_n3A_94 : vector<16xi1>, vector<16xf32>
        %broadcast_in_dim3A_96 = vector.broadcast %add3A_74 : i32 to vector<16xi32>
        %select_n3A_97 = arith.select %gt3A_93, %broadcast_in_dim3A_96, %scan3A_70 : vector<16xi1>, vector<16xi32>
        %select_n3A_98 = arith.select %gt3A_92, %scan3A_69, %select_n3A_97 : vector<16xi1>, vector<16xi32>
        %select_n3A_99 = arith.select %gt3A_92, %get3A_83, %scan3A_67 : vector<16xi1>, vector<16xf32>
        %broadcast_in_dim3A_100 = vector.broadcast %add3A_74 : i32 to vector<16xi32>
        %select_n3A_101 = arith.select %gt3A_92, %broadcast_in_dim3A_100, %scan3A_69 : vector<16xi1>, vector<16xi32>
        %mul3A_102 = arith.constant 8 : i32
        %mul3A_103 = arith.muli %scan3A_62, %mul3A_102 : i32
        %add3A_104 = arith.constant 1 : i32
        %add3A_105 = arith.addi %mul3A_103, %add3A_104 : i32
        %mul3A_106 = arith.constant 16 : i32
        %mul3A_107 = arith.muli %mul3A_43, %mul3A_106 : i32
        %get3A_108 = arith.index_cast %add3A_105 : i32 to index
        %get3A_109 = arith.index_cast %mul3A_107 : i32 to index
        %get3A_110 = tpu.vector_load %arg6[%get3A_108, %get3A_109] {strides = array<i32>} : memref<64x256xf32, #tpu.memory_space<vmem>>, vector<16xf32>,
        %mul3A_111 = arith.constant 16 : i32
        %mul3A_112 = arith.muli %add3A_45, %mul3A_111 : i32
        %get3A_113 = arith.index_cast %add3A_105 : i32 to index
        %get3A_114 = arith.index_cast %mul3A_112 : i32 to index
        %get3A_115 = tpu.vector_load %arg6[%get3A_113, %get3A_114] {strides = array<i32>} : memref<64x256xf32, #tpu.memory_space<vmem>>, vector<16xf32>,
        %gt3A_116 = arith.cmpf ogt, %get3A_110, %select_n3A_89 : vector<16xf32>
        %gt3A_117 = arith.cmpf ogt, %get3A_110, %select_n3A_85 : vector<16xf32>
        %select_n3A_118 = arith.select %gt3A_117, %get3A_110, %select_n3A_85 : vector<16xi1>, vector<16xf32>
        %select_n3A_119 = arith.select %gt3A_116, %select_n3A_89, %select_n3A_118 : vector<16xi1>, vector<16xf32>
        %broadcast_in_dim3A_120 = vector.broadcast %add3A_105 : i32 to vector<16xi32>
        %select_n3A_121 = arith.select %gt3A_117, %broadcast_in_dim3A_120, %select_n3A_88 : vector<16xi1>, vector<16xi32>
        %select_n3A_122 = arith.select %gt3A_116, %select_n3A_91, %select_n3A_121 : vector<16xi1>, vector<16xi32>
        %select_n3A_123 = arith.select %gt3A_116, %get3A_110, %select_n3A_89 : vector<16xi1>, vector<16xf32>
        %broadcast_in_dim3A_124 = vector.broadcast %add3A_105 : i32 to vector<16xi32>
        %select_n3A_125 = arith.select %gt3A_116, %broadcast_in_dim3A_124, %select_n3A_91 : vector<16xi1>, vector<16xi32>
        %gt3A_126 = arith.cmpf ogt, %get3A_115, %select_n3A_99 : vector<16xf32>
        %gt3A_127 = arith.cmpf ogt, %get3A_115, %select_n3A_95 : vector<16xf32>
        %select_n3A_128 = arith.select %gt3A_127, %get3A_115, %select_n3A_95 : vector<16xi1>, vector<16xf32>
        %select_n3A_129 = arith.select %gt3A_126, %select_n3A_99, %select_n3A_128 : vector<16xi1>, vector<16xf32>
        %broadcast_in_dim3A_130 = vector.broadcast %add3A_105 : i32 to vector<16xi32>
        %select_n3A_131 = arith.select %gt3A_127, %broadcast_in_dim3A_130, %select_n3A_98 : vector<16xi1>, vector<16xi32>
        %select_n3A_132 = arith.select %gt3A_126, %select_n3A_101, %select_n3A_131 : vector<16xi1>, vector<16xi32>
        %select_n3A_133 = arith.select %gt3A_126, %get3A_115, %select_n3A_99 : vector<16xi1>, vector<16xf32>
        %broadcast_in_dim3A_134 = vector.broadcast %add3A_105 : i32 to vector<16xi32>
        %select_n3A_135 = arith.select %gt3A_126, %broadcast_in_dim3A_134, %select_n3A_101 : vector<16xi1>, vector<16xi32>
        %mul3A_136 = arith.constant 8 : i32
        %mul3A_137 = arith.muli %scan3A_62, %mul3A_136 : i32
        %add3A_138 = arith.constant 2 : i32
        %add3A_139 = arith.addi %mul3A_137, %add3A_138 : i32
        %mul3A_140 = arith.constant 16 : i32
        %mul3A_141 = arith.muli %mul3A_43, %mul3A_140 : i32
        %get3A_142 = arith.index_cast %add3A_139 : i32 to index
        %get3A_143 = arith.index_cast %mul3A_141 : i32 to index
        %get3A_144 = tpu.vector_load %arg6[%get3A_142, %get3A_143] {strides = array<i32>} : memref<64x256xf32, #tpu.memory_space<vmem>>, vector<16xf32>,
        %mul3A_145 = arith.constant 16 : i32
        %mul3A_146 = arith.muli %add3A_45, %mul3A_145 : i32
        %get3A_147 = arith.index_cast %add3A_139 : i32 to index
        %get3A_148 = arith.index_cast %mul3A_146 : i32 to index
        %get3A_149 = tpu.vector_load %arg6[%get3A_147, %get3A_148] {strides = array<i32>} : memref<64x256xf32, #tpu.memory_space<vmem>>, vector<16xf32>,
        %gt3A_150 = arith.cmpf ogt, %get3A_144, %select_n3A_123 : vector<16xf32>
        %gt3A_151 = arith.cmpf ogt, %get3A_144, %select_n3A_119 : vector<16xf32>
        %select_n3A_152 = arith.select %gt3A_151, %get3A_144, %select_n3A_119 : vector<16xi1>, vector<16xf32>
        %select_n3A_153 = arith.select %gt3A_150, %select_n3A_123, %select_n3A_152 : vector<16xi1>, vector<16xf32>
        %broadcast_in_dim3A_154 = vector.broadcast %add3A_139 : i32 to vector<16xi32>
        %select_n3A_155 = arith.select %gt3A_151, %broadcast_in_dim3A_154, %select_n3A_122 : vector<16xi1>, vector<16xi32>
        %select_n3A_156 = arith.select %gt3A_150, %select_n3A_125, %select_n3A_155 : vector<16xi1>, vector<16xi32>
        %select_n3A_157 = arith.select %gt3A_150, %get3A_144, %select_n3A_123 : vector<16xi1>, vector<16xf32>
        %broadcast_in_dim3A_158 = vector.broadcast %add3A_139 : i32 to vector<16xi32>
        %select_n3A_159 = arith.select %gt3A_150, %broadcast_in_dim3A_158, %select_n3A_125 : vector<16xi1>, vector<16xi32>
        %gt3A_160 = arith.cmpf ogt, %get3A_149, %select_n3A_133 : vector<16xf32>
        %gt3A_161 = arith.cmpf ogt, %get3A_149, %select_n3A_129 : vector<16xf32>
        %select_n3A_162 = arith.select %gt3A_161, %get3A_149, %select_n3A_129 : vector<16xi1>, vector<16xf32>
        %select_n3A_163 = arith.select %gt3A_160, %select_n3A_133, %select_n3A_162 : vector<16xi1>, vector<16xf32>
        %broadcast_in_dim3A_164 = vector.broadcast %add3A_139 : i32 to vector<16xi32>
        %select_n3A_165 = arith.select %gt3A_161, %broadcast_in_dim3A_164, %select_n3A_132 : vector<16xi1>, vector<16xi32>
        %select_n3A_166 = arith.select %gt3A_160, %select_n3A_135, %select_n3A_165 : vector<16xi1>, vector<16xi32>
        %select_n3A_167 = arith.select %gt3A_160, %get3A_149, %select_n3A_133 : vector<16xi1>, vector<16xf32>
        %broadcast_in_dim3A_168 = vector.broadcast %add3A_139 : i32 to vector<16xi32>
        %select_n3A_169 = arith.select %gt3A_160, %broadcast_in_dim3A_168, %select_n3A_135 : vector<16xi1>, vector<16xi32>
        %mul3A_170 = arith.constant 8 : i32
        %mul3A_171 = arith.muli %scan3A_62, %mul3A_170 : i32
        %add3A_172 = arith.constant 3 : i32
        %add3A_173 = arith.addi %mul3A_171, %add3A_172 : i32
        %mul3A_174 = arith.constant 16 : i32
        %mul3A_175 = arith.muli %mul3A_43, %mul3A_174 : i32
        %get3A_176 = arith.index_cast %add3A_173 : i32 to index
        %get3A_177 = arith.index_cast %mul3A_175 : i32 to index
        %get3A_178 = tpu.vector_load %arg6[%get3A_176, %get3A_177] {strides = array<i32>} : memref<64x256xf32, #tpu.memory_space<vmem>>, vector<16xf32>,
        %mul3A_179 = arith.constant 16 : i32
        %mul3A_180 = arith.muli %add3A_45, %mul3A_179 : i32
        %get3A_181 = arith.index_cast %add3A_173 : i32 to index
        %get3A_182 = arith.index_cast %mul3A_180 : i32 to index
        %get3A_183 = tpu.vector_load %arg6[%get3A_181, %get3A_182] {strides = array<i32>} : memref<64x256xf32, #tpu.memory_space<vmem>>, vector<16xf32>,
        %gt3A_184 = arith.cmpf ogt, %get3A_178, %select_n3A_157 : vector<16xf32>
        %gt3A_185 = arith.cmpf ogt, %get3A_178, %select_n3A_153 : vector<16xf32>
        %select_n3A_186 = arith.select %gt3A_185, %get3A_178, %select_n3A_153 : vector<16xi1>, vector<16xf32>
        %select_n3A_187 = arith.select %gt3A_184, %select_n3A_157, %select_n3A_186 : vector<16xi1>, vector<16xf32>
        %broadcast_in_dim3A_188 = vector.broadcast %add3A_173 : i32 to vector<16xi32>
        %select_n3A_189 = arith.select %gt3A_185, %broadcast_in_dim3A_188, %select_n3A_156 : vector<16xi1>, vector<16xi32>
        %select_n3A_190 = arith.select %gt3A_184, %select_n3A_159, %select_n3A_189 : vector<16xi1>, vector<16xi32>
        %select_n3A_191 = arith.select %gt3A_184, %get3A_178, %select_n3A_157 : vector<16xi1>, vector<16xf32>
        %broadcast_in_dim3A_192 = vector.broadcast %add3A_173 : i32 to vector<16xi32>
        %select_n3A_193 = arith.select %gt3A_184, %broadcast_in_dim3A_192, %select_n3A_159 : vector<16xi1>, vector<16xi32>
        %gt3A_194 = arith.cmpf ogt, %get3A_183, %select_n3A_167 : vector<16xf32>
        %gt3A_195 = arith.cmpf ogt, %get3A_183, %select_n3A_163 : vector<16xf32>
        %select_n3A_196 = arith.select %gt3A_195, %get3A_183, %select_n3A_163 : vector<16xi1>, vector<16xf32>
        %select_n3A_197 = arith.select %gt3A_194, %select_n3A_167, %select_n3A_196 : vector<16xi1>, vector<16xf32>
        %broadcast_in_dim3A_198 = vector.broadcast %add3A_173 : i32 to vector<16xi32>
        %select_n3A_199 = arith.select %gt3A_195, %broadcast_in_dim3A_198, %select_n3A_166 : vector<16xi1>, vector<16xi32>
        %select_n3A_200 = arith.select %gt3A_194, %select_n3A_169, %select_n3A_199 : vector<16xi1>, vector<16xi32>
        %select_n3A_201 = arith.select %gt3A_194, %get3A_183, %select_n3A_167 : vector<16xi1>, vector<16xf32>
        %broadcast_in_dim3A_202 = vector.broadcast %add3A_173 : i32 to vector<16xi32>
        %select_n3A_203 = arith.select %gt3A_194, %broadcast_in_dim3A_202, %select_n3A_169 : vector<16xi1>, vector<16xi32>
        %mul3A_204 = arith.constant 8 : i32
        %mul3A_205 = arith.muli %scan3A_62, %mul3A_204 : i32
        %add3A_206 = arith.constant 4 : i32
        %add3A_207 = arith.addi %mul3A_205, %add3A_206 : i32
        %mul3A_208 = arith.constant 16 : i32
        %mul3A_209 = arith.muli %mul3A_43, %mul3A_208 : i32
        %get3A_210 = arith.index_cast %add3A_207 : i32 to index
        %get3A_211 = arith.index_cast %mul3A_209 : i32 to index
        %get3A_212 = tpu.vector_load %arg6[%get3A_210, %get3A_211] {strides = array<i32>} : memref<64x256xf32, #tpu.memory_space<vmem>>, vector<16xf32>,
        %mul3A_213 = arith.constant 16 : i32
        %mul3A_214 = arith.muli %add3A_45, %mul3A_213 : i32
        %get3A_215 = arith.index_cast %add3A_207 : i32 to index
        %get3A_216 = arith.index_cast %mul3A_214 : i32 to index
        %get3A_217 = tpu.vector_load %arg6[%get3A_215, %get3A_216] {strides = array<i32>} : memref<64x256xf32, #tpu.memory_space<vmem>>, vector<16xf32>,
        %gt3A_218 = arith.cmpf ogt, %get3A_212, %select_n3A_191 : vector<16xf32>
        %gt3A_219 = arith.cmpf ogt, %get3A_212, %select_n3A_187 : vector<16xf32>
        %select_n3A_220 = arith.select %gt3A_219, %get3A_212, %select_n3A_187 : vector<16xi1>, vector<16xf32>
        %select_n3A_221 = arith.select %gt3A_218, %select_n3A_191, %select_n3A_220 : vector<16xi1>, vector<16xf32>
        %broadcast_in_dim3A_222 = vector.broadcast %add3A_207 : i32 to vector<16xi32>
        %select_n3A_223 = arith.select %gt3A_219, %broadcast_in_dim3A_222, %select_n3A_190 : vector<16xi1>, vector<16xi32>
        %select_n3A_224 = arith.select %gt3A_218, %select_n3A_193, %select_n3A_223 : vector<16xi1>, vector<16xi32>
        %select_n3A_225 = arith.select %gt3A_218, %get3A_212, %select_n3A_191 : vector<16xi1>, vector<16xf32>
        %broadcast_in_dim3A_226 = vector.broadcast %add3A_207 : i32 to vector<16xi32>
        %select_n3A_227 = arith.select %gt3A_218, %broadcast_in_dim3A_226, %select_n3A_193 : vector<16xi1>, vector<16xi32>
        %gt3A_228 = arith.cmpf ogt, %get3A_217, %select_n3A_201 : vector<16xf32>
        %gt3A_229 = arith.cmpf ogt, %get3A_217, %select_n3A_197 : vector<16xf32>
        %select_n3A_230 = arith.select %gt3A_229, %get3A_217, %select_n3A_197 : vector<16xi1>, vector<16xf32>
        %select_n3A_231 = arith.select %gt3A_228, %select_n3A_201, %select_n3A_230 : vector<16xi1>, vector<16xf32>
        %broadcast_in_dim3A_232 = vector.broadcast %add3A_207 : i32 to vector<16xi32>
        %select_n3A_233 = arith.select %gt3A_229, %broadcast_in_dim3A_232, %select_n3A_200 : vector<16xi1>, vector<16xi32>
        %select_n3A_234 = arith.select %gt3A_228, %select_n3A_203, %select_n3A_233 : vector<16xi1>, vector<16xi32>
        %select_n3A_235 = arith.select %gt3A_228, %get3A_217, %select_n3A_201 : vector<16xi1>, vector<16xf32>
        %broadcast_in_dim3A_236 = vector.broadcast %add3A_207 : i32 to vector<16xi32>
        %select_n3A_237 = arith.select %gt3A_228, %broadcast_in_dim3A_236, %select_n3A_203 : vector<16xi1>, vector<16xi32>
        %mul3A_238 = arith.constant 8 : i32
        %mul3A_239 = arith.muli %scan3A_62, %mul3A_238 : i32
        %add3A_240 = arith.constant 5 : i32
        %add3A_241 = arith.addi %mul3A_239, %add3A_240 : i32
        %mul3A_242 = arith.constant 16 : i32
        %mul3A_243 = arith.muli %mul3A_43, %mul3A_242 : i32
        %get3A_244 = arith.index_cast %add3A_241 : i32 to index
        %get3A_245 = arith.index_cast %mul3A_243 : i32 to index
        %get3A_246 = tpu.vector_load %arg6[%get3A_244, %get3A_245] {strides = array<i32>} : memref<64x256xf32, #tpu.memory_space<vmem>>, vector<16xf32>,
        %mul3A_247 = arith.constant 16 : i32
        %mul3A_248 = arith.muli %add3A_45, %mul3A_247 : i32
        %get3A_249 = arith.index_cast %add3A_241 : i32 to index
        %get3A_250 = arith.index_cast %mul3A_248 : i32 to index
        %get3A_251 = tpu.vector_load %arg6[%get3A_249, %get3A_250] {strides = array<i32>} : memref<64x256xf32, #tpu.memory_space<vmem>>, vector<16xf32>,
        %gt3A_252 = arith.cmpf ogt, %get3A_246, %select_n3A_225 : vector<16xf32>
        %gt3A_253 = arith.cmpf ogt, %get3A_246, %select_n3A_221 : vector<16xf32>
        %select_n3A_254 = arith.select %gt3A_253, %get3A_246, %select_n3A_221 : vector<16xi1>, vector<16xf32>
        %select_n3A_255 = arith.select %gt3A_252, %select_n3A_225, %select_n3A_254 : vector<16xi1>, vector<16xf32>
        %broadcast_in_dim3A_256 = vector.broadcast %add3A_241 : i32 to vector<16xi32>
        %select_n3A_257 = arith.select %gt3A_253, %broadcast_in_dim3A_256, %select_n3A_224 : vector<16xi1>, vector<16xi32>
        %select_n3A_258 = arith.select %gt3A_252, %select_n3A_227, %select_n3A_257 : vector<16xi1>, vector<16xi32>
        %select_n3A_259 = arith.select %gt3A_252, %get3A_246, %select_n3A_225 : vector<16xi1>, vector<16xf32>
        %broadcast_in_dim3A_260 = vector.broadcast %add3A_241 : i32 to vector<16xi32>
        %select_n3A_261 = arith.select %gt3A_252, %broadcast_in_dim3A_260, %select_n3A_227 : vector<16xi1>, vector<16xi32>
        %gt3A_262 = arith.cmpf ogt, %get3A_251, %select_n3A_235 : vector<16xf32>
        %gt3A_263 = arith.cmpf ogt, %get3A_251, %select_n3A_231 : vector<16xf32>
        %select_n3A_264 = arith.select %gt3A_263, %get3A_251, %select_n3A_231 : vector<16xi1>, vector<16xf32>
        %select_n3A_265 = arith.select %gt3A_262, %select_n3A_235, %select_n3A_264 : vector<16xi1>, vector<16xf32>
        %broadcast_in_dim3A_266 = vector.broadcast %add3A_241 : i32 to vector<16xi32>
        %select_n3A_267 = arith.select %gt3A_263, %broadcast_in_dim3A_266, %select_n3A_234 : vector<16xi1>, vector<16xi32>
        %select_n3A_268 = arith.select %gt3A_262, %select_n3A_237, %select_n3A_267 : vector<16xi1>, vector<16xi32>
        %select_n3A_269 = arith.select %gt3A_262, %get3A_251, %select_n3A_235 : vector<16xi1>, vector<16xf32>
        %broadcast_in_dim3A_270 = vector.broadcast %add3A_241 : i32 to vector<16xi32>
        %select_n3A_271 = arith.select %gt3A_262, %broadcast_in_dim3A_270, %select_n3A_237 : vector<16xi1>, vector<16xi32>
        %mul3A_272 = arith.constant 8 : i32
        %mul3A_273 = arith.muli %scan3A_62, %mul3A_272 : i32
        %add3A_274 = arith.constant 6 : i32
        %add3A_275 = arith.addi %mul3A_273, %add3A_274 : i32
        %mul3A_276 = arith.constant 16 : i32
        %mul3A_277 = arith.muli %mul3A_43, %mul3A_276 : i32
        %get3A_278 = arith.index_cast %add3A_275 : i32 to index
        %get3A_279 = arith.index_cast %mul3A_277 : i32 to index
        %get3A_280 = tpu.vector_load %arg6[%get3A_278, %get3A_279] {strides = array<i32>} : memref<64x256xf32, #tpu.memory_space<vmem>>, vector<16xf32>,
        %mul3A_281 = arith.constant 16 : i32
        %mul3A_282 = arith.muli %add3A_45, %mul3A_281 : i32
        %get3A_283 = arith.index_cast %add3A_275 : i32 to index
        %get3A_284 = arith.index_cast %mul3A_282 : i32 to index
        %get3A_285 = tpu.vector_load %arg6[%get3A_283, %get3A_284] {strides = array<i32>} : memref<64x256xf32, #tpu.memory_space<vmem>>, vector<16xf32>,
        %gt3A_286 = arith.cmpf ogt, %get3A_280, %select_n3A_259 : vector<16xf32>
        %gt3A_287 = arith.cmpf ogt, %get3A_280, %select_n3A_255 : vector<16xf32>
        %select_n3A_288 = arith.select %gt3A_287, %get3A_280, %select_n3A_255 : vector<16xi1>, vector<16xf32>
        %select_n3A_289 = arith.select %gt3A_286, %select_n3A_259, %select_n3A_288 : vector<16xi1>, vector<16xf32>
        %broadcast_in_dim3A_290 = vector.broadcast %add3A_275 : i32 to vector<16xi32>
        %select_n3A_291 = arith.select %gt3A_287, %broadcast_in_dim3A_290, %select_n3A_258 : vector<16xi1>, vector<16xi32>
        %select_n3A_292 = arith.select %gt3A_286, %select_n3A_261, %select_n3A_291 : vector<16xi1>, vector<16xi32>
        %select_n3A_293 = arith.select %gt3A_286, %get3A_280, %select_n3A_259 : vector<16xi1>, vector<16xf32>
        %broadcast_in_dim3A_294 = vector.broadcast %add3A_275 : i32 to vector<16xi32>
        %select_n3A_295 = arith.select %gt3A_286, %broadcast_in_dim3A_294, %select_n3A_261 : vector<16xi1>, vector<16xi32>
        %gt3A_296 = arith.cmpf ogt, %get3A_285, %select_n3A_269 : vector<16xf32>
        %gt3A_297 = arith.cmpf ogt, %get3A_285, %select_n3A_265 : vector<16xf32>
        %select_n3A_298 = arith.select %gt3A_297, %get3A_285, %select_n3A_265 : vector<16xi1>, vector<16xf32>
        %select_n3A_299 = arith.select %gt3A_296, %select_n3A_269, %select_n3A_298 : vector<16xi1>, vector<16xf32>
        %broadcast_in_dim3A_300 = vector.broadcast %add3A_275 : i32 to vector<16xi32>
        %select_n3A_301 = arith.select %gt3A_297, %broadcast_in_dim3A_300, %select_n3A_268 : vector<16xi1>, vector<16xi32>
        %select_n3A_302 = arith.select %gt3A_296, %select_n3A_271, %select_n3A_301 : vector<16xi1>, vector<16xi32>
        %select_n3A_303 = arith.select %gt3A_296, %get3A_285, %select_n3A_269 : vector<16xi1>, vector<16xf32>
        %broadcast_in_dim3A_304 = vector.broadcast %add3A_275 : i32 to vector<16xi32>
        %select_n3A_305 = arith.select %gt3A_296, %broadcast_in_dim3A_304, %select_n3A_271 : vector<16xi1>, vector<16xi32>
        %mul3A_306 = arith.constant 8 : i32
        %mul3A_307 = arith.muli %scan3A_62, %mul3A_306 : i32
        %add3A_308 = arith.constant 7 : i32
        %add3A_309 = arith.addi %mul3A_307, %add3A_308 : i32
        %mul3A_310 = arith.constant 16 : i32
        %mul3A_311 = arith.muli %mul3A_43, %mul3A_310 : i32
        %get3A_312 = arith.index_cast %add3A_309 : i32 to index
        %get3A_313 = arith.index_cast %mul3A_311 : i32 to index
        %get3A_314 = tpu.vector_load %arg6[%get3A_312, %get3A_313] {strides = array<i32>} : memref<64x256xf32, #tpu.memory_space<vmem>>, vector<16xf32>,
        %mul3A_315 = arith.constant 16 : i32
        %mul3A_316 = arith.muli %add3A_45, %mul3A_315 : i32
        %get3A_317 = arith.index_cast %add3A_309 : i32 to index
        %get3A_318 = arith.index_cast %mul3A_316 : i32 to index
        %get3A_319 = tpu.vector_load %arg6[%get3A_317, %get3A_318] {strides = array<i32>} : memref<64x256xf32, #tpu.memory_space<vmem>>, vector<16xf32>,
        %gt3A_320 = arith.cmpf ogt, %get3A_314, %select_n3A_293 : vector<16xf32>
        %gt3A_321 = arith.cmpf ogt, %get3A_314, %select_n3A_289 : vector<16xf32>
        %select_n3A_322 = arith.select %gt3A_321, %get3A_314, %select_n3A_289 : vector<16xi1>, vector<16xf32>
        %select_n3A_323 = arith.select %gt3A_320, %select_n3A_293, %select_n3A_322 : vector<16xi1>, vector<16xf32>
        %broadcast_in_dim3A_324 = vector.broadcast %add3A_309 : i32 to vector<16xi32>
        %select_n3A_325 = arith.select %gt3A_321, %broadcast_in_dim3A_324, %select_n3A_292 : vector<16xi1>, vector<16xi32>
        %select_n3A_326 = arith.select %gt3A_320, %select_n3A_295, %select_n3A_325 : vector<16xi1>, vector<16xi32>
        %select_n3A_327 = arith.select %gt3A_320, %get3A_314, %select_n3A_293 : vector<16xi1>, vector<16xf32>
        %broadcast_in_dim3A_328 = vector.broadcast %add3A_309 : i32 to vector<16xi32>
        %select_n3A_329 = arith.select %gt3A_320, %broadcast_in_dim3A_328, %select_n3A_295 : vector<16xi1>, vector<16xi32>
        %gt3A_330 = arith.cmpf ogt, %get3A_319, %select_n3A_303 : vector<16xf32>
        %gt3A_331 = arith.cmpf ogt, %get3A_319, %select_n3A_299 : vector<16xf32>
        %select_n3A_332 = arith.select %gt3A_331, %get3A_319, %select_n3A_299 : vector<16xi1>, vector<16xf32>
        %select_n3A_333 = arith.select %gt3A_330, %select_n3A_303, %select_n3A_332 : vector<16xi1>, vector<16xf32>
        %broadcast_in_dim3A_334 = vector.broadcast %add3A_309 : i32 to vector<16xi32>
        %select_n3A_335 = arith.select %gt3A_331, %broadcast_in_dim3A_334, %select_n3A_302 : vector<16xi1>, vector<16xi32>
        %select_n3A_336 = arith.select %gt3A_330, %select_n3A_305, %select_n3A_335 : vector<16xi1>, vector<16xi32>
        %select_n3A_337 = arith.select %gt3A_330, %get3A_319, %select_n3A_303 : vector<16xi1>, vector<16xf32>
        %broadcast_in_dim3A_338 = vector.broadcast %add3A_309 : i32 to vector<16xi32>
        %select_n3A_339 = arith.select %gt3A_330, %broadcast_in_dim3A_338, %select_n3A_305 : vector<16xi1>, vector<16xi32>
        scf.yield %select_n3A_327, %select_n3A_323, %select_n3A_329, %select_n3A_326, %select_n3A_337, %select_n3A_333, %select_n3A_339, %select_n3A_336 : vector<16xf32>, vector<16xf32>, vector<16xi32>, vector<16xi32>, vector<16xf32>, vector<16xf32>, vector<16xi32>, vector<16xi32>
      }
      %scan3A_61 = arith.constant 8 : i32
      tpu.vector_store_idx %arg7[%scan3A_60#2, %add3A_49], %scan3A_60#0 : memref<64x256xf32, #tpu.memory_space<vmem>>[vector<16xi32>, vector<16xi32>], vector<16xf32>,
      tpu.vector_store_idx %arg7[%scan3A_60#3, %add3A_49], %scan3A_60#1 : memref<64x256xf32, #tpu.memory_space<vmem>>[vector<16xi32>, vector<16xi32>], vector<16xf32>,
      tpu.vector_store_idx %arg8[%scan3A_60#2, %add3A_49], %broadcast_in_dim3A_16 : memref<64x256xf32, #tpu.memory_space<vmem>>[vector<16xi32>, vector<16xi32>], vector<16xf32>,
      tpu.vector_store_idx %arg8[%scan3A_60#3, %add3A_49], %broadcast_in_dim3A_16 : memref<64x256xf32, #tpu.memory_space<vmem>>[vector<16xi32>, vector<16xi32>], vector<16xf32>,
      tpu.vector_store_idx %arg7[%scan3A_60#6, %add3A_53], %scan3A_60#4 : memref<64x256xf32, #tpu.memory_space<vmem>>[vector<16xi32>, vector<16xi32>], vector<16xf32>,
      tpu.vector_store_idx %arg7[%scan3A_60#7, %add3A_53], %scan3A_60#5 : memref<64x256xf32, #tpu.memory_space<vmem>>[vector<16xi32>, vector<16xi32>], vector<16xf32>,
      tpu.vector_store_idx %arg8[%scan3A_60#6, %add3A_53], %broadcast_in_dim3A_16 : memref<64x256xf32, #tpu.memory_space<vmem>>[vector<16xi32>, vector<16xi32>], vector<16xf32>,
      tpu.vector_store_idx %arg8[%scan3A_60#7, %add3A_53], %broadcast_in_dim3A_16 : memref<64x256xf32, #tpu.memory_space<vmem>>[vector<16xi32>, vector<16xi32>], vector<16xf32>,
      tpu.vector_store_idx %arg9[%scan3A_60#2, %iota3A], %broadcast_in_dim3A_16 {add = true} : memref<64x16xf32, #tpu.memory_space<vmem>>[vector<16xi32>, vector<16xi32>], vector<16xf32>,
      tpu.vector_store_idx %arg9[%scan3A_60#6, %iota3A], %broadcast_in_dim3A_16 {add = true} : memref<64x16xf32, #tpu.memory_space<vmem>>[vector<16xi32>, vector<16xi32>], vector<16xf32>,
    }
    %scan3A_24 = arith.constant 8 : i32
    %dma_start3A_25 = arith.constant 0 : i32
    %dma_start3A_26 = tpu.memref_slice %arg3[%dma_start3A_25, %mul3A_2] : memref<64x8192xf32, #tpu.memory_space<hbm>> -> memref<64x256xf32, #tpu.memory_space<hbm>>
    %dma_start3A_27 = arith.constant 0 : i32
    %dma_start3A_28 = tpu.memref_slice %arg3[%dma_start3A_27, %mul3A_2] : memref<64x8192xf32, #tpu.memory_space<hbm>> -> memref<64x256xf32, #tpu.memory_space<hbm>>
    tpu.enqueue_dma source(%arg7 : memref<64x256xf32, #tpu.memory_space<vmem>>) target(%dma_start3A_28 : memref<64x256xf32, #tpu.memory_space<hbm>>) target_semaphore(%arg10 : memref<!tpu.dma_semaphore, #tpu.memory_space<semaphore_mem>>)
    %dma_start3A_29 = arith.constant 0 : i32
    %dma_start3A_30 = tpu.memref_slice %arg4[%dma_start3A_29, %mul3A_2] : memref<64x8192xf32, #tpu.memory_space<hbm>> -> memref<64x256xf32, #tpu.memory_space<hbm>>
    %dma_start3A_31 = arith.constant 0 : i32
    %dma_start3A_32 = tpu.memref_slice %arg4[%dma_start3A_31, %mul3A_2] : memref<64x8192xf32, #tpu.memory_space<hbm>> -> memref<64x256xf32, #tpu.memory_space<hbm>>
    tpu.enqueue_dma source(%arg8 : memref<64x256xf32, #tpu.memory_space<vmem>>) target(%dma_start3A_32 : memref<64x256xf32, #tpu.memory_space<hbm>>) target_semaphore(%arg10 : memref<!tpu.dma_semaphore, #tpu.memory_space<semaphore_mem>>)
    %dma_wait3A_33 = arith.constant 0 : i32
    %dma_wait3A_34 = tpu.memref_slice %arg3[%dma_wait3A_33, %mul3A_2] : memref<64x8192xf32, #tpu.memory_space<hbm>> -> memref<64x256xf32, #tpu.memory_space<hbm>>
    %dma_wait3A_35 = arith.constant 0 : i32
    %dma_wait3A_36 = tpu.memref_slice %arg3[%dma_wait3A_35, %mul3A_2] : memref<64x8192xf32, #tpu.memory_space<hbm>> -> memref<64x256xf32, #tpu.memory_space<hbm>>
    tpu.wait_dma2 semaphore(%arg10 : memref<!tpu.dma_semaphore, #tpu.memory_space<semaphore_mem>>) src(%arg7 : memref<64x256xf32, #tpu.memory_space<vmem>>) dst(%dma_wait3A_36 : memref<64x256xf32, #tpu.memory_space<hbm>>)
    %dma_wait3A_37 = arith.constant 0 : i32
    %dma_wait3A_38 = tpu.memref_slice %arg4[%dma_wait3A_37, %mul3A_2] : memref<64x8192xf32, #tpu.memory_space<hbm>> -> memref<64x256xf32, #tpu.memory_space<hbm>>
    %dma_wait3A_39 = arith.constant 0 : i32
    %dma_wait3A_40 = tpu.memref_slice %arg4[%dma_wait3A_39, %mul3A_2] : memref<64x8192xf32, #tpu.memory_space<hbm>> -> memref<64x256xf32, #tpu.memory_space<hbm>>
    tpu.wait_dma2 semaphore(%arg10 : memref<!tpu.dma_semaphore, #tpu.memory_space<semaphore_mem>>) src(%arg8 : memref<64x256xf32, #tpu.memory_space<vmem>>) dst(%dma_wait3A_40 : memref<64x256xf32, #tpu.memory_space<hbm>>)
    "tpu.region"() ({
      %run_scoped3A = tpu.sem_alloc : memref<!tpu.dma_semaphore, #tpu.memory_space<semaphore_mem>>
      %dma_start3A_41 = arith.constant 0 : i32
      %dma_start3A_42 = arith.constant 0 : i32
      %dma_start3A_43 = tpu.memref_slice %arg5[%add3A, %dma_start3A_41, %dma_start3A_42] : memref<32x64x16xf32, #tpu.memory_space<hbm>> -> memref<1x64x16xf32, #tpu.memory_space<hbm>>
      %dma_start3A_44 = tpu.memref_squeeze %dma_start3A_43 : memref<1x64x16xf32, #tpu.memory_space<hbm>> -> memref<64x16xf32, #tpu.memory_space<hbm>>
      %dma_start3A_45 = arith.constant 0 : i32
      %dma_start3A_46 = arith.constant 0 : i32
      %dma_start3A_47 = tpu.memref_slice %arg5[%add3A, %dma_start3A_45, %dma_start3A_46] : memref<32x64x16xf32, #tpu.memory_space<hbm>> -> memref<1x64x16xf32, #tpu.memory_space<hbm>>
      %dma_start3A_48 = tpu.memref_squeeze %dma_start3A_47 : memref<1x64x16xf32, #tpu.memory_space<hbm>> -> memref<64x16xf32, #tpu.memory_space<hbm>>
      tpu.enqueue_dma source(%arg9 : memref<64x16xf32, #tpu.memory_space<vmem>>) target(%dma_start3A_48 : memref<64x16xf32, #tpu.memory_space<hbm>>) target_semaphore(%run_scoped3A : memref<!tpu.dma_semaphore, #tpu.memory_space<semaphore_mem>>)
      %dma_wait3A_49 = arith.constant 0 : i32
      %dma_wait3A_50 = arith.constant 0 : i32
      %dma_wait3A_51 = tpu.memref_slice %arg5[%add3A, %dma_wait3A_49, %dma_wait3A_50] : memref<32x64x16xf32, #tpu.memory_space<hbm>> -> memref<1x64x16xf32, #tpu.memory_space<hbm>>
      %dma_wait3A_52 = tpu.memref_squeeze %dma_wait3A_51 : memref<1x64x16xf32, #tpu.memory_space<hbm>> -> memref<64x16xf32, #tpu.memory_space<hbm>>
      %dma_wait3A_53 = arith.constant 0 : i32
      %dma_wait3A_54 = arith.constant 0 : i32
      %dma_wait3A_55 = tpu.memref_slice %arg5[%add3A, %dma_wait3A_53, %dma_wait3A_54] : memref<32x64x16xf32, #tpu.memory_space<hbm>> -> memref<1x64x16xf32, #tpu.memory_space<hbm>>
      %dma_wait3A_56 = tpu.memref_squeeze %dma_wait3A_55 : memref<1x64x16xf32, #tpu.memory_space<hbm>> -> memref<64x16xf32, #tpu.memory_space<hbm>>
      tpu.wait_dma2 semaphore(%run_scoped3A : memref<!tpu.dma_semaphore, #tpu.memory_space<semaphore_mem>>) src(%arg9 : memref<64x16xf32, #tpu.memory_space<vmem>>) dst(%dma_wait3A_56 : memref<64x16xf32, #tpu.memory_space<hbm>>)
      tpu.yield
    }) : () -> ()
    return
  }
}

module attributes {stable_mosaic.version = 14 : i64} {
  func.func @_gate_body(%arg0: i32, %arg1: memref<1024x2048xf32, #tpu.memory_space<vmem>>, %arg2: memref<2048x64xf32, #tpu.memory_space<vmem>>, %arg3: memref<64x1024xf32, #tpu.memory_space<vmem>>, %arg4: memref<1x64xf32, #tpu.memory_space<vmem>>, %arg5: memref<1x64xf32, #tpu.memory_space<vmem>>) attributes {dimension_semantics = [#tpu.dimension_semantics<arbitrary>], iteration_bounds = array<i64: 8>, scalar_prefetch = 0 : i64, scratch_operands = 1 : i64, tpu.core_type = #tpu.core_type<tc>, window_params = [{transform_indices = @transform_0, window_bounds = array<i64: 1024, 2048>}, {pipeline_mode = #tpu.pipeline_mode<synchronous>, transform_indices = @transform_1, window_bounds = array<i64: 2048, 64>}, {transform_indices = @transform_2, window_bounds = array<i64: 64, 1024>}, {pipeline_mode = #tpu.pipeline_mode<synchronous>, transform_indices = @transform_3, window_bounds = array<i64: 1, 64>}]} {
    %eq3A = arith.constant 0 : i32
    %eq3A_0 = arith.cmpi eq, %arg0, %eq3A : i32
    %convert_element_type3A = arith.extui %eq3A_0 : i1 to i32
    %cond3A = arith.constant 0 : i32
    %cond3A_1 = arith.cmpi ne, %convert_element_type3A, %cond3A : i32
    scf.if %cond3A_1 {
      %broadcast_in_dim3A_29 = arith.constant 0.000000e+00 : f32
      %broadcast_in_dim3A_30 = vector.broadcast %broadcast_in_dim3A_29 : f32 to vector<1x64xf32>
      %swap3A_31 = arith.constant 0 : index
      %swap3A_32 = arith.constant 0 : index
      %swap3A_33 = vector.load %arg5[%swap3A_31, %swap3A_32] : memref<1x64xf32, #tpu.memory_space<vmem>>, vector<1x64xf32>
      tpu.vector_store %arg5[%swap3A_31, %swap3A_32], %broadcast_in_dim3A_30 {strides = array<i32>} : memref<1x64xf32, #tpu.memory_space<vmem>>, vector<1x64xf32>,
    } else {
    }
    %get3A = arith.constant 0 : index
    %get3A_2 = arith.constant 0 : index
    %get3A_3 = vector.load %arg1[%get3A, %get3A_2] : memref<1024x2048xf32, #tpu.memory_space<vmem>>, vector<1024x2048xf32>
    %get3A_4 = arith.constant 0 : index
    %get3A_5 = arith.constant 0 : index
    %get3A_6 = vector.load %arg2[%get3A_4, %get3A_5] : memref<2048x64xf32, #tpu.memory_space<vmem>>, vector<2048x64xf32>
    %dot_general3A = arith.constant dense<0.000000e+00> : vector<1024x64xf32>
    %dot_general3A_7 = tpu.matmul %get3A_3, %get3A_6, %dot_general3A {dimension_numbers = #tpu.dot_dimension_numbers<[1], [0], [0], [1], [0, 0, 1, 1], [], []>, transpose_lhs_hint = false} : vector<1024x2048xf32>, vector<2048x64xf32>, vector<1024x64xf32> -> vector<1024x64xf32>
    %reduce_max3A = arith.constant dense<0xFF800000> : vector<1024xf32>
    %reduce_max3A_8 = vector.multi_reduction <maximumf>, %dot_general3A_7, %reduce_max3A [1] : vector<1024x64xf32> to vector<1024xf32>
    %broadcast_in_dim3A = vector.shape_cast %reduce_max3A_8 : vector<1024xf32> to vector<1024x1xf32>
    %sub3A = vector.broadcast %broadcast_in_dim3A : vector<1024x1xf32> to vector<1024x64xf32>
    %sub3A_9 = arith.subf %dot_general3A_7, %sub3A : vector<1024x64xf32>
    %exp3A = math.exp %sub3A_9 : vector<1024x64xf32>
    %reduce_sum3A = arith.constant dense<0.000000e+00> : vector<1024xf32>
    %reduce_sum3A_10 = vector.multi_reduction <add>, %exp3A, %reduce_sum3A [1] : vector<1024x64xf32> to vector<1024xf32>
    %broadcast_in_dim3A_11 = vector.shape_cast %reduce_sum3A_10 : vector<1024xf32> to vector<1024x1xf32>
    %div3A = vector.broadcast %broadcast_in_dim3A_11 : vector<1024x1xf32> to vector<1024x64xf32>
    %div3A_12 = arith.divf %exp3A, %div3A : vector<1024x64xf32>
    %transpose3A = tpu.transpose %div3A_12, [1, 0] : vector<1024x64xf32> -> vector<64x1024xf32>
    %swap3A = arith.constant 0 : index
    %swap3A_13 = arith.constant 0 : index
    %swap3A_14 = vector.load %arg3[%swap3A, %swap3A_13] : memref<64x1024xf32, #tpu.memory_space<vmem>>, vector<64x1024xf32>
    tpu.vector_store %arg3[%swap3A, %swap3A_13], %transpose3A {strides = array<i32>} : memref<64x1024xf32, #tpu.memory_space<vmem>>, vector<64x1024xf32>,
    %get3A_15 = arith.constant 0 : index
    %get3A_16 = arith.constant 0 : index
    %get3A_17 = vector.load %arg5[%get3A_15, %get3A_16] : memref<1x64xf32, #tpu.memory_space<vmem>>, vector<1x64xf32>
    %reduce_sum3A_18 = arith.constant dense<0.000000e+00> : vector<64xf32>
    %reduce_sum3A_19 = vector.multi_reduction <add>, %div3A_12, %reduce_sum3A_18 [0] : vector<1024x64xf32> to vector<64xf32>
    %broadcast_in_dim3A_20 = vector.shape_cast %reduce_sum3A_19 : vector<64xf32> to vector<1x64xf32>
    %add3A = arith.addf %get3A_17, %broadcast_in_dim3A_20 : vector<1x64xf32>
    %swap3A_21 = arith.constant 0 : index
    %swap3A_22 = arith.constant 0 : index
    %swap3A_23 = vector.load %arg5[%swap3A_21, %swap3A_22] : memref<1x64xf32, #tpu.memory_space<vmem>>, vector<1x64xf32>
    tpu.vector_store %arg5[%swap3A_21, %swap3A_22], %add3A {strides = array<i32>} : memref<1x64xf32, #tpu.memory_space<vmem>>, vector<1x64xf32>,
    %eq3A_24 = arith.constant 7 : i32
    %eq3A_25 = arith.cmpi eq, %arg0, %eq3A_24 : i32
    %convert_element_type3A_26 = arith.extui %eq3A_25 : i1 to i32
    %cond3A_27 = arith.constant 0 : i32
    %cond3A_28 = arith.cmpi ne, %convert_element_type3A_26, %cond3A_27 : i32
    scf.if %cond3A_28 {
      %get3A_29 = arith.constant 0 : index
      %get3A_30 = arith.constant 0 : index
      %get3A_31 = vector.load %arg5[%get3A_29, %get3A_30] : memref<1x64xf32, #tpu.memory_space<vmem>>, vector<1x64xf32>
      %swap3A_32 = arith.constant 0 : index
      %swap3A_33 = arith.constant 0 : index
      %swap3A_34 = vector.load %arg4[%swap3A_32, %swap3A_33] : memref<1x64xf32, #tpu.memory_space<vmem>>, vector<1x64xf32>
      tpu.vector_store %arg4[%swap3A_32, %swap3A_33], %get3A_31 {strides = array<i32>} : memref<1x64xf32, #tpu.memory_space<vmem>>, vector<1x64xf32>,
    } else {
    }
    return
  }
  func.func @transform_0(%arg0: i32) -> (i32, i32) {
    %c0_i32 = arith.constant 0 : i32
    %c0_i32_0 = arith.constant 0 : i32
    return %arg0, %c0_i32 : i32, i32
  }
  func.func @transform_1(%arg0: i32) -> (i32, i32) {
    %c0_i32 = arith.constant 0 : i32
    %c0_i32_0 = arith.constant 0 : i32
    %c0_i32_1 = arith.constant 0 : i32
    return %c0_i32, %c0_i32_0 : i32, i32
  }
  func.func @transform_2(%arg0: i32) -> (i32, i32) {
    %c0_i32 = arith.constant 0 : i32
    %c0_i32_0 = arith.constant 0 : i32
    return %c0_i32, %arg0 : i32, i32
  }
  func.func @transform_3(%arg0: i32) -> (i32, i32) {
    %c0_i32 = arith.constant 0 : i32
    %c0_i32_0 = arith.constant 0 : i32
    %c0_i32_1 = arith.constant 0 : i32
    return %c0_i32, %c0_i32_0 : i32, i32
  }
}

</mosaic_0001>

<sc_bundles>
// kernel: kernel.4.cloned.1.call-start
scs
__scs_entry_jumppad:
0x0: {  	(pc) =	sbr.rel $0x88, $3  }
0x1: {  	(tag) =	ssettag $0x0;
	lr =	simm.s32 $0x1  }
0x2: {  	[smem:$0x3F9F] =	sst lr;
	_ =	strace $0xD0000000  }
0x3: {  	_ = 	snop  }
0x4: {  	_ = 	snop  }
0x5: {  	_ = 	snop  }
0x6: {  	_ = 	snop  }
0x7: {  	_ = 	snop  }
__scs_overlays_trampoline_lowered:
0x8: {  	[smem:$0x3FAE] =	sst s0  }
0x9: {  	[smem:$0x3FAF] =	sst s1  }
0xa: {  	[smem:$0x3FB0] =	sst s2  }
0xb: {  	[smem:$0x3FB1] =	sst s3  }
0xc: {  	[smem:$0x3FB2] =	sst s4  }
0xd: {  	[smem:$0x3FB3] =	sst s5  }
0xe: {  	[smem:$0x3FB4] =	sst s6  }
0xf: {  	[smem:$0x3FB5] =	sst s7  }
0x10: {  	[smem:$0x3FB6] =	sst s8  }
0x11: {  	[smem:$0x3FB7] =	sst s9;
	s0 =	simm.s32 @!p0 $0x0  }
0x12: {  	s1 =	sld [smem:$0x3F9D];
	s0 =	simm.s32 @p0 $0x1  }
0x13: {  	[smem:$0x3FB8] =	sst s0;
	s0 =	simm.s32 @!p1 $0x0  }
0x14: {  	s2 =	sld [smem:$0x3F9C];
	s0 =	simm.s32 @p1 $0x1  }
0x15: {  	[smem:$0x3FB9] =	sst s0;
	s0 =	simm.s32 @!p2 $0x0  }
0x16: {  	s3 =	sld [smem:$0x3FDB];
	s0 =	simm.s32 @p2 $0x1  }
0x17: {  	s4 =	simm.s32 $0x1BF5;
	[smem:$0x3FBB] =	sst s0  }
0x18: {  	s0 =	sld [smem:$0x3F9E];
	_ =	swait.ge [sflag:s4], $0x0  }
0x19: {  	s7 =	sld [smem:$0x3F9F]  }
0x1a: {  	s8 =	sadd.s32 $0xFFFFE003, lr  }
0x1b: {  	s9 =	sadd.s32 $0xFFFFFEF7, lr;
	s5 =	simm.s32 $0xFFFFFFFF;
	p2 =	slt.u32 s8, $0xFFFFF086  }
0x1c: {  	p1 =	slt.u32 s9, $0xF7A;
	s5 =	simm.s32 @!p2 $0x0  }
0x1d: {  	s5 =	simm.s32 @p1 $0x1;
	p0 =	seq.s32 s7, s2  }
0x1e: {  	s7 =	smul.u32 @!p0 $0xF7A, s2;
	p2 =	seq.s32 @!p0 s5, $0x0  }
0x1f: {  	s9 =	smul.u32 $0xF7A, s1;
	s8 =	simm.s32 @!p0 $0x1BF5;
	p2 =	por !p2, p0  }
0x20: {  	[sflag:s8] =	ssyncset.s32 @!p0 $0xFFFFF086;
	s6 =	sadd.s32 @!p0 s3, s7;
	s7 =	simm.s32 @!p0 $0x108  }
0x21: {  	s3 =	sadd.s32 s3, s9;
	s6 =	sadd.s32 @!p0 $0x88, s6;
	s7 =	simm.s32 @p2 $0x1082  }
0x22: {  	[simem:s7], [sflag:s8] =	dma.local @!p0 [hbm:s6], $0xF7A  }
0x23: {  	s9 =	sor.u32 $0xD0000000, s2;
	s6 =	simm.s32 $0x108;
	_ =	swait.ge @!p0 [sflag:s8], $0x0  }
0x24: {  	s3 =	sadd.s32 $0x88, s3;
	s6 =	simm.s32 @!p1 $0x1082;
	[sflag:s4] =	ssyncset.s32 $0xFFFFF086  }
0x25: {  	[simem:s6], [sflag:s4] =	dma.local [hbm:s3], $0xF7A  }
0x26: {  	[smem:$0x3F9F] =	sst s1;
	(tag) =	ssettag s2;
	_ =	strace s9  }
0x27: {  	s1 =	sld [smem:$0x3FAF]  }
0x28: {  	s2 =	sld [smem:$0x3FB0]  }
0x29: {  	s4 =	sld [smem:$0x3FB2]  }
0x2a: {  	p0 =	seq.s32 s5, $0x0;
	s5 =	sld [smem:$0x3FB3]  }
0x2b: {  	s6 =	sld [smem:$0x3FB4]  }
0x2c: {  	s7 =	sld [smem:$0x3FB5]  }
0x2d: {  	s3 =	simm.s32 $0x108;
	s8 =	sld [smem:$0x3FB6]  }
0x2e: {  	s3 =	simm.s32 @!p0 $0x1082;
	s9 =	sld [smem:$0x3FB7]  }
0x2f: {  	lr =	sadd.s32 s0, s3;
	s0 =	sld [smem:$0x3FAE]  }
0x30: {  	s3 =	sld [smem:$0x3FB1]  }
0x31: {  	[smem:$0x3FBA] =	sst s10  }
0x32: {  	s10 =	sld [smem:$0x3FB8];
	_ =	sdelay $0x3  }
0x33: {  	p0 =	seq.s32 s10, $0x1;
	s10 =	sld [smem:$0x3FBA];
	_ =	sdelay $0x3  }
0x34: {  	[smem:$0x3FBA] =	sst s10  }
0x35: {  	s10 =	sld [smem:$0x3FB9];
	_ =	sdelay $0x3  }
0x36: {  	p1 =	seq.s32 s10, $0x1;
	s10 =	sld [smem:$0x3FBA];
	_ =	sdelay $0x3  }
0x37: {  	[smem:$0x3FBA] =	sst s10  }
0x38: {  	s10 =	sld [smem:$0x3FBB]  }
0x39: {  	_ = 	snop;
	(pc) =	sbr.ind lr, $3  }
0x3a: {  	_ = 	snop  }
0x3b: {  	_ = 	snop  }
0x3c: {  	p2 =	seq.s32 s10, $0x1;
	s10 =	sld [smem:$0x3FBA]  }
0x3d: {  	_ =	shalt  }
0x3e: {  	_ =	shalt  }
0x3f: {  	_ =	shalt  }
0x40: {  	_ =	shalt  }
0x41: {  	_ =	shalt  }
0x42: {  	_ =	shalt  }
0x43: {  	_ =	shalt  }
0x44: {  	_ =	shalt  }
0x45: {  	_ =	shalt  }
0x46: {  	_ =	shalt  }
0x47: {  	_ =	shalt  }
0x48: {  	_ =	shalt  }
0x49: {  	_ =	shalt  }
0x4a: {  	_ =	shalt  }
0x4b: {  	_ =	shalt  }
0x4c: {  	_ =	shalt  }
0x4d: {  	_ =	shalt  }
0x4e: {  	_ =	shalt  }
0x4f: {  	_ =	shalt  }
0x50: {  	_ =	shalt  }
0x51: {  	_ =	shalt  }
0x52: {  	_ =	shalt  }
0x53: {  	_ =	shalt  }
0x54: {  	_ =	shalt  }
0x55: {  	_ =	shalt  }
0x56: {  	_ =	shalt  }
0x57: {  	_ =	shalt  }
0x58: {  	_ =	shalt  }
0x59: {  	_ =	shalt  }
0x5a: {  	_ =	shalt  }
0x5b: {  	_ =	shalt  }
0x5c: {  	_ =	shalt  }
0x5d: {  	_ =	shalt  }
0x5e: {  	_ =	shalt  }
0x5f: {  	_ =	shalt  }
0x60: {  	_ =	shalt  }
0x61: {  	_ =	shalt  }
0x62: {  	_ =	shalt  }
0x63: {  	_ =	shalt  }
0x64: {  	_ =	shalt  }
0x65: {  	_ =	shalt  }
0x66: {  	_ =	shalt  }
0x67: {  	_ =	shalt  }
0x68: {  	_ =	shalt  }
0x69: {  	_ =	shalt  }
0x6a: {  	_ =	shalt  }
0x6b: {  	_ =	shalt  }
0x6c: {  	_ =	shalt  }
0x6d: {  	_ =	shalt  }
0x6e: {  	_ =	shalt  }
0x6f: {  	_ =	shalt  }
0x70: {  	_ =	shalt  }
0x71: {  	_ =	shalt  }
0x72: {  	_ =	shalt  }
0x73: {  	_ =	shalt  }
0x74: {  	_ =	shalt  }
0x75: {  	_ =	shalt  }
0x76: {  	_ =	shalt  }
0x77: {  	_ =	shalt  }
0x78: {  	_ =	shalt  }
0x79: {  	_ =	shalt  }
0x7a: {  	_ =	shalt  }
0x7b: {  	_ =	shalt  }
0x7c: {  	_ =	shalt  }
0x7d: {  	_ =	shalt  }
0x7e: {  	_ =	shalt  }
0x7f: {  	_ =	shalt  }
0x80: {  	_ =	shalt  }
0x81: {  	_ =	shalt  }
0x82: {  	_ =	shalt  }
0x83: {  	_ =	shalt  }
0x84: {  	_ =	shalt  }
0x85: {  	_ =	shalt  }
0x86: {  	_ =	shalt  }
0x87: {  	_ =	shalt  }
.Lfunc_end0:
.L_simem_size_0:
called_computation_lowered:
.L_overlay_start_0:
0x88: {  	s2 =	sld [smem:$0x3FD9]  }
0x89: {  	s3 =	sld [smem:$0x3FFE];
	_ =	sdelay $0x1  }
0x8a: {  	s1 =	srdreg.scid  }
0x8b: {  	s0 =	sand.u32 $0x1, s1  }
0x8c: {  	s14 =	sshll.u32 s0, $0xA;
	s2 =	sadd.s32 s3, s2  }
0x8d: {  	s2 =	sadd.s32 s2, s14  }
0x8e: {  	[smem:$0x3FC6] =	sst s2  }
0x8f: {  	_ = 	snop  }
0x90: {  	s2 =	sld [smem:$0x3FD0];
	_ =	sdelay $0x2  }
0x91: {  	s15 =	simm.s32 $0xA;
	s4 =	simm.s32 $0x10  }
0x92: {  	[smem:s4], [sflag:s15] =	dma.local [hbm:s2], $0x1  }
0x93: {  	_ =	swait.eq [sflag:s15], $0x1  }
0x94: {  	[sflag:s15] =	ssyncset.done $0x0  }
0x95: {  	[sflag:s15] =	ssyncadd.s32 $0xFFFFFFFF  }
0x96: {  	s16 =	sld [smem:$0x11];
	(tm) =	ssettm $0x1  }
0x97: {  	s17 =	sld [smem:$0x3FFB];
	_ =	sdelay $0x3  }
0x98: {  	_ =	strace s17  }
0x99: {  	s3 =	sld [smem:$0x3FFC];
	_ =	sdelay $0x3  }
0x9a: {  	_ =	strace s3  }
0x9b: {  	s3 =	sld [smem:$0x3FFD];
	_ =	sdelay $0x3  }
0x9c: {  	_ =	strace s3  }
0x9d: {  	_ =	strace $0x8FFFFFFF  }
0x9e: {  	s18 =	sld [smem:$0x3FDB];
	_ =	sdelay $0x1  }
0x9f: {  	s19 =	simm.s32 $_scs_section_size  }
0xa0: {  	s5 =	simm.s32 $_size__tile_overlayer_lowered;
	s6 =	simm.s32 $_tile_overlayer_lowered  }
0xa1: {  	s22 =	simm.s32 $0x1BFF;
	s21 =	sshll.u32 s6, $0x1;
	s3 =	sadd.s32 s19, s18  }
0xa2: {  	s7 =	simm.s32 $0x0;
	s20 =	sshll.u32 s5, $0x1;
	s5 =	sadd.s32 s21, s3  }
0xa3: {  	[timem:s7], [sflag:s22] =	dma.local [hbm:s5], s20  }
0xa4: {  	_ =	swait.ge [sflag:s22], s20  }
0xa5: {  	s4 =	ssub.s32 $0x0, s20;
	[sflag:s22] =	ssyncset.done $0x0  }
0xa6: {  	[sflag:s22] =	ssyncadd.s32 s4;
	_ =	sdelay $0x1  }
0xa7: {  	s23 =	simm.s32 $0x1B8B  }
0xa8: {  	_ =	swait.ge [sflag:s23], $0x1  }
0xa9: {  	[sflag:s23] =	ssyncset.done $0x0  }
0xaa: {  	s25 =	simm.s32 $0x1B8E;
	s24 =	sld [smem:$0x3FFE];
	[sflag:s23] =	ssyncadd.s32 $0xFFFFFFFF  }
0xab: {  	s26 =	simm.s32 $execute0_lowered;
	[smem:$0x3FD2] =	sst s25  }
0xac: {  	s5 =	sshll.u32 s26, $0x1;
	_ =	strace $0x80000046;
	[dreg:$0x1] =	wrdreg $0xFFFFFFFF  }
0xad: {  	s28 =	simm.s32 $_size_execute0_lowered;
	s3 =	sadd.s32 s3, s5;
	[dreg:$0x0] =	wrdreg $0x0  }
0xae: {  	s5 =	sshll.u32 s28, $0x1;
	[dreg:$0x2] =	wrdreg s3  }
0xaf: {  	[dreg:$0x3] =	wrdreg s5  }
0xb0: {  	[dreg:$0x4] =	wrdreg $0xC0  }
0xb1: {  	_ =	task [dreg:s7], $0x5FFFF  }
0xb2: {  	[dreg:$0x1] =	wrdreg $0xFFFFFFFF  }
0xb3: {  	[dreg:$0x0] =	wrdreg $0x60  }
0xb4: {  	[dreg:$0x2] =	wrdreg s16  }
0xb5: {  	[dreg:$0x3] =	wrdreg s24  }
0xb6: {  	[dreg:$0x4] =	wrdreg $0x9  }
0xb7: {  	_ =	task.clear_ibuf [dreg:s7], $0x5FFFF;
	_ =	strace $0x90000046  }
0xb8: {  	s29 =	simm.s32 $0x9;
	_ =	strace $0x80000048  }
0xb9: {  	_ =	swait.ge [sflag:s29], $0x1  }
0xba: {  	[sflag:s29] =	ssyncadd.s32 $0xFFFFFFFF  }
0xbb: {  	_ =	strace $0x90000048  }
0xbc: {  	_ =	sfence  }
0xbd: {  	s30 =	sld [smem:$0x0];
	_ =	sdelay $0x2  }
0xbe: {  	s31 =	sshll.u32 s1, $0xD;
	s1 =	sshrl.u32 s1, $0x2  }
0xbf: {  	s3 =	sand.u32 $0x4000, s31;
	s1 =	sadd.s32 s1, s30  }
0xc0: {  	s0 =	sor.u32 s3, s0;
	s1 =	sshll.u32 s1, $0x11  }
0xc1: {  	s0 =	sor.u32 s1, s0  }
0xc2: {  	s0 =	sadd.s32 $0x8F2B, s0  }
0xc3: {  	[sflag:s0] =	ssyncadd.remote.s32 $0x1  }
0xc4: {  	_ =	sfence.sel $0xFFFF  }
0xc5: {  	[dreg:$0x0] =	wrdreg $0xFFFFFFFF;
	(pc) =	sbr.abs _section_cstart, $3  }
0xc6: {  	[dreg:$0x1] =	wrdreg $0xFFFFFFFF  }
0xc7: {  	_ =	task.clear_ibuf [dreg:s7], $0x2FFFF;
	_ =	strace $0x9FFFFFFF  }
0xc8: {  	(tm) =	ssettm $0x7FFFFFFF  }
0xc9: {  	_ =	shalt  }
tec
execute0_lowered:
.L_overlay_start_1:
0x0: {  	(tag) =	ssettag $0x1  }
0x1: {  	s3 =	rddreg [dreg:$0x0]  }
0x2: {  	s4 =	rddreg [dreg:$0x1]  }
0x3: {  	s0 =	rddreg [dreg:$0x2];
	s5 =	srdreg.scid  }
0x4: {  	s1 =	stileid.u32;
	s2 =	simm.s32 $0x0;
	s10 =	simm.s32 $0x1  }
0x5: {  	s11 =	simm.s32 $0x4000;
	s12 =	simm.s32 $0x8000;
	s13 =	simm.s32 $0xC000  }
0x6: {  	s14 =	simm.s32 $0x2;
	s5 =	sand.u32 $0x1, s5;
	s6 =	sshll.u32 s1, $0x1  }
0x7: {  	s15 =	simm.s32 $0x0;
	[smem:$0x7FF] =	sst s2;
	s6 =	sor.u32 s5, s6  }
0x8: {  	_ =	strace $0x80000047;
	s5 =	ssub.s32 $0x2, s5;
	s7 =	sshll.u32 s6, $0x8  }
0x9: {  	s6 =	sshll.u32 s6, $0xA;
	s9 =	sshrl.u32 s5, $0x1;
	s8 =	sadd.s32 s7, s4  }
0xa: {  	s6 =	sadd.s32 s6, s4;
	s9 =	ssub.s32 s5, s9;
	s3 =	sadd.s32 s3, s7  }
0xb: {  	s4 =	sadd.s32 $0x600, s8;
	s5 =	sadd.s32 $0x10600, s8;
	s6 =	sadd.s32 $0x20600, s6  }
0xc: {  	v0 =	vimm.f32 $0.0e+00;
	v1 =	vlaneseq.u32;
	v2 =	vimm.f32 $1.000000000e+00;
	s7 =	smax.u32 s9, $0x1;
	s8 =	simm.s32 $0x800;
	s9 =	simm.s32 $0x10000  }
.LBB2_1:
0xd: {  	[tilespmem:s2], [sflag:$0x1] =	stream.strided.gather [hbm4b:s3+s8], $0x4000, s9, s8, $0x38;
	[tilespmem:$0xE000] =	vst v63  }
0xe: {  	s16 =	sand.u32 $0x3800, s2;
	s17 =	sand.u32 $0x380, s2  }
0xf: {  	s16 =	sor.u32 s17, s16  }
0x10: {  	[tilespmem:s16+$0x8000] =	vst v0  }
0x11: {  	[tilespmem:s16+$0x4010] =	vst v0  }
0x12: {  	[tilespmem:s16+$0x8010] =	vst v0  }
0x13: {  	[tilespmem:s16+$0x4020] =	vst v0  }
0x14: {  	[tilespmem:s16+$0x8020] =	vst v0  }
0x15: {  	[tilespmem:s16+$0x4030] =	vst v0  }
0x16: {  	[tilespmem:s16+$0x8030] =	vst v0  }
0x17: {  	[tilespmem:s16+$0x4040] =	vst v0  }
0x18: {  	[tilespmem:s16+$0x8040] =	vst v0  }
0x19: {  	[tilespmem:s16+$0x4050] =	vst v0  }
0x1a: {  	[tilespmem:s16+$0x8050] =	vst v0  }
0x1b: {  	[tilespmem:s16+$0x4060] =	vst v0  }
0x1c: {  	[tilespmem:s16+$0x8060] =	vst v0  }
0x1d: {  	[tilespmem:s16+$0x4070] =	vst v0  }
0x1e: {  	[tilespmem:s16+$0x8070] =	vst v0  }
0x1f: {  	[tilespmem:s16+$0x4400] =	vst v0  }
0x20: {  	[tilespmem:s16+$0x8400] =	vst v0  }
0x21: {  	[tilespmem:s16+$0x4410] =	vst v0  }
0x22: {  	[tilespmem:s16+$0x8410] =	vst v0  }
0x23: {  	[tilespmem:s16+$0x4420] =	vst v0  }
0x24: {  	[tilespmem:s16+$0x8420] =	vst v0  }
0x25: {  	[tilespmem:s16+$0x4430] =	vst v0  }
0x26: {  	[tilespmem:s16+$0x8430] =	vst v0  }
0x27: {  	[tilespmem:s16+$0x4440] =	vst v0  }
0x28: {  	[tilespmem:s16+$0x8440] =	vst v0  }
0x29: {  	[tilespmem:s16+$0x4450] =	vst v0  }
0x2a: {  	[tilespmem:s16+$0x8450] =	vst v0  }
0x2b: {  	[tilespmem:s16+$0x4460] =	vst v0  }
0x2c: {  	[tilespmem:s16+$0x8460] =	vst v0  }
0x2d: {  	[tilespmem:s16+$0x4470] =	vst v0  }
0x2e: {  	s18 =	simm.s32 $0x80;
	s19 =	simm.s32 $0x100;
	s17 =	simm.s32 $0xC000;
	[tilespmem:s16+$0x8470] =	vst v0  }
.LBB2_2:
0x2f: {  	s20 =	sand.u32 $0x3800, s19;
	s21 =	sand.u32 $0x380, s18;
	p0 =	sne.s32 s19, $0x3F00;
	[tilespmem:s16+$0x4000] =	vst v0  }
0x30: {  	s16 =	sor.u32 s21, s20;
	[tilespmem:s17+$0x0] =	vst v0  }
0x31: {  	[tilespmem:s16+$0x8000] =	vst v0  }
0x32: {  	[tilespmem:s16+$0x4010] =	vst v0  }
0x33: {  	[tilespmem:s16+$0x8010] =	vst v0  }
0x34: {  	[tilespmem:s16+$0x4020] =	vst v0  }
0x35: {  	[tilespmem:s16+$0x8020] =	vst v0  }
0x36: {  	[tilespmem:s16+$0x4030] =	vst v0  }
0x37: {  	[tilespmem:s16+$0x8030] =	vst v0  }
0x38: {  	[tilespmem:s16+$0x4040] =	vst v0  }
0x39: {  	[tilespmem:s16+$0x8040] =	vst v0  }
0x3a: {  	[tilespmem:s16+$0x4050] =	vst v0  }
0x3b: {  	[tilespmem:s16+$0x8050] =	vst v0  }
0x3c: {  	[tilespmem:s16+$0x4060] =	vst v0  }
0x3d: {  	[tilespmem:s16+$0x8060] =	vst v0  }
0x3e: {  	[tilespmem:s16+$0x4070] =	vst v0  }
0x3f: {  	[tilespmem:s16+$0x8070] =	vst v0  }
0x40: {  	[tilespmem:s16+$0x4400] =	vst v0  }
0x41: {  	[tilespmem:s16+$0x8400] =	vst v0  }
0x42: {  	[tilespmem:s16+$0x4410] =	vst v0  }
0x43: {  	[tilespmem:s16+$0x8410] =	vst v0  }
0x44: {  	[tilespmem:s16+$0x4420] =	vst v0  }
0x45: {  	[tilespmem:s16+$0x8420] =	vst v0  }
0x46: {  	[tilespmem:s16+$0x4430] =	vst v0  }
0x47: {  	[tilespmem:s16+$0x8430] =	vst v0  }
0x48: {  	[tilespmem:s16+$0x4440] =	vst v0  }
0x49: {  	[tilespmem:s16+$0x8440] =	vst v0  }
0x4a: {  	[tilespmem:s16+$0x4450] =	vst v0  }
.Ltmp0:
0x4b: {  	[tilespmem:s16+$0x8450] =	vst v0;
	(pc) =	sbr.rel @p0 .LBB2_2-.Ltmp0, $4  }
0x4c: {  	[tilespmem:s16+$0x4460] =	vst v0  }
0x4d: {  	[tilespmem:s16+$0x8460] =	vst v0  }
0x4e: {  	[tilespmem:s16+$0x4470] =	vst v0  }
0x4f: {  	s18 =	sadd.s32 $0x80, s18;
	s19 =	sadd.s32 $0x100, s19;
	s17 =	sadd.s32 $0x80, s17;
	[tilespmem:s16+$0x8470] =	vst v0  }
0x50: {  	[tilespmem:s16+$0x4000] =	vst v0  }
0x51: {  	[tilespmem:s17+$0x0] =	vst v0  }
0x52: {  	_ =	swait.ge [sflag:s10], $0x4000  }
0x53: {  	s16 =	simm.s32 $0x0;
	s18 =	simm.s32 $0x0;
	[sflag:s10] =	ssyncset.done $0x0  }
0x54: {  	s19 =	simm.s32 $0x0;
	s17 =	simm.s32 $0x0;
	[sflag:s10] =	ssyncadd.s32 $0xFFFFC000  }
.LBB2_4:
0x55: {  	s20 =	sshll.u32 s18, $0x2;
	s21 =	sand.u32 $0x7, s17  }
0x56: {  	s20 =	sand.u32 $0xFFFFF000, s20;
	s21 =	sshll.u32 s21, $0x6  }
0x57: {  	s21 =	sor.u32 s21, s20  }
0x58: {  	s21 =	sshrl.u32 s21, $0x2  }
0x59: {  	s25 =	sadd.s32 $0x210, s21  }
0x5a: {  	v3 =	vld [tilespmem:s25+$0xFFFFFE00];
	_ =	sdelay $0x1  }
0x5b: {  	s23 =	sand.u32 $0x3, s16  }
0x5c: {  	s21 =	sshll.u32 s23, $0x7;
	v4 =	vld [tilespmem:s25+$0xFFFFFE80]  }
0x5d: {  	v5 =	vimm.f32 $-1.000000000e+00;
	s20 =	sor.u32 s21, s20  }
0x5e: {  	s20 =	sshrl.u32 s20, $0x2;
	vm0 =	vgt.f32 v3, v5  }
0x5f: {  	v6 =	vld [tilespmem:s25+$0xFFFFFF00];
	s26 =	sor.u32 $0x200, s20;
	v3 =	vsel vm0, v3, v5  }
0x60: {  	v9 =	vld [tilespmem:s26+$0xFFFFFE00];
	v7 =	vsel vm0, v5, v3  }
0x61: {  	vm11 =	vgt.f32 v4, v7  }
0x62: {  	v8 =	vld [tilespmem:s25+$0xFFFFFF80];
	vm4 =	vgt.f32 v4, v3;
	v7 =	vsel vm11, v4, v7  }
0x63: {  	v7 =	vsel vm4, v3, v7  }
0x64: {  	v11 =	vimm.s32 $0x0;
	v3 =	vsel vm4, v4, v3;
	vm10 =	vgt.f32 v6, v7  }
0x65: {  	s24 =	simm.s32 $0x0;
	vm3 =	vgt.f32 v9, v5;
	vm8 =	vgt.f32 v6, v3;
	v4 =	vsel vm10, v6, v7;
	v7 =	vld [tilespmem:s25+$0x0]  }
0x66: {  	v10 =	vld [tilespmem:s26+$0xFFFFFE80];
	v13 =	vsel vm0, s24, v11;
	v12 =	vsel vm3, s24, v11;
	v4 =	vsel vm8, v3, v4  }
0x67: {  	v15 =	vsel vm3, v11, v12;
	v3 =	vsel vm8, v6, v3;
	vm9 =	vgt.f32 v8, v4  }
0x68: {  	s29 =	simm.s32 $0x1;
	v11 =	vsel vm0, v11, v13;
	v6 =	vld [tilespmem:s25+$0x80];
	vm7 =	vgt.f32 v8, v3;
	v4 =	vsel vm9, v8, v4  }
0x69: {  	v11 =	vsel vm11, s29, v11;
	v4 =	vsel vm7, v3, v4;
	v3 =	vsel vm7, v8, v3  }
0x6a: {  	v8 =	vsel vm3, v9, v5;
	vm6 =	vgt.f32 v7, v4;
	vm5 =	vgt.f32 v7, v3  }
0x6b: {  	v9 =	vld [tilespmem:s25+$0x100];
	vm12 =	vgt.f32 v10, v8;
	v5 =	vsel vm3, v5, v8;
	v4 =	vsel vm6, v7, v4  }
0x6c: {  	vm13 =	vgt.f32 v10, v5;
	v4 =	vsel vm5, v3, v4;
	v3 =	vsel vm5, v7, v3;
	v7 =	vld [tilespmem:s26+$0xFFFFFF00]  }
0x6d: {  	v14 =	vsel vm12, s29, v12;
	v15 =	vsel vm13, s29, v15;
	vm2 =	vgt.f32 v6, v4  }
0x6e: {  	v16 =	vld [tilespmem:s25+$0x180];
	v5 =	vsel vm13, v10, v5;
	vm1 =	vgt.f32 v6, v3;
	v4 =	vsel vm2, v6, v4  }
0x6f: {  	v4 =	vsel vm1, v3, v4;
	v3 =	vsel vm1, v6, v3;
	v6 =	vsel vm12, v10, v8  }
0x70: {  	v10 =	vsel vm12, v12, v15;
	vm0 =	vgt.f32 v9, v3;
	vm3 =	vgt.f32 v9, v4  }
0x71: {  	v4 =	vsel vm3, v9, v4;
	vm11 =	vgt.f32 v7, v6;
	v18 =	vsel vm0, v9, v3  }
0x72: {  	s30 =	simm.s32 $0x2;
	v17 =	vsel vm0, v3, v4;
	v4 =	vsel vm4, v13, v11;
	v11 =	vsel vm4, s29, v13  }
0x73: {  	s31 =	simm.s32 $0x3;
	v13 =	vld [tilespmem:s26+$0xFFFFFF80];
	v3 =	vsel vm12, v8, v5;
	vm4 =	vgt.f32 v16, v18;
	v12 =	vsel vm8, s30, v11  }
0x74: {  	v4 =	vsel vm10, s30, v4;
	vm10 =	vgt.f32 v7, v3;
	v15 =	vsel vm7, s31, v12  }
0x75: {  	s22 =	simm.s32 $0x4;
	v8 =	vsel vm8, v11, v4;
	v3 =	vsel vm10, v7, v3;
	v9 =	vsel vm10, s30, v10  }
0x76: {  	v10 =	vld [tilespmem:s26+$0x0];
	v7 =	vsel vm11, v7, v6;
	v11 =	vsel vm11, s30, v14;
	v5 =	vsel vm5, s22, v15  }
0x77: {  	s28 =	simm.s32 $0x5;
	v8 =	vsel vm9, s31, v8;
	v3 =	vsel vm11, v6, v3;
	v9 =	vsel vm11, v14, v9  }
0x78: {  	v4 =	vsel vm1, s28, v5;
	v8 =	vsel vm7, v12, v8;
	vm7 =	vgt.f32 v13, v3  }
0x79: {  	v6 =	vld [tilespmem:s26+$0x80];
	vm8 =	vgt.f32 v13, v7;
	v8 =	vsel vm6, s22, v8;
	v3 =	vsel vm7, v13, v3  }
0x7a: {  	v9 =	vsel vm7, s31, v9;
	v12 =	vsel vm5, v15, v8;
	v3 =	vsel vm8, v7, v3  }
0x7b: {  	v8 =	vsel vm8, s31, v11;
	v7 =	vsel vm8, v13, v7;
	vm9 =	vgt.f32 v10, v3  }
0x7c: {  	v14 =	vsel vm8, v11, v9;
	v9 =	vld [tilespmem:s26+$0x100];
	vm8 =	vgt.f32 v10, v7;
	v3 =	vsel vm9, v10, v3  }
0x7d: {  	vm5 =	vgt.f32 v16, v17;
	v10 =	vsel vm8, v10, v7;
	v3 =	vsel vm8, v7, v3  }
0x7e: {  	v13 =	vsel vm8, s22, v8;
	v15 =	vsel vm9, s22, v14;
	vm7 =	vgt.f32 v6, v3  }
0x7f: {  	s21 =	sshll.u32 s19, $0x5;
	vm6 =	vgt.f32 v6, v10;
	v7 =	vsel vm5, v16, v17;
	v3 =	vsel vm7, v6, v3  }
0x80: {  	s23 =	simm.s32 $0x6;
	s20 =	sor.u32 $0x10, s21;
	s24 =	simm.s32 $0xF;
	v15 =	vsel vm8, v8, v15;
	v8 =	vsel vm4, v16, v18;
	v14 =	vsel vm6, v10, v3  }
0x81: {  	s25 =	sadd.s32 $0x800, s25;
	s22 =	simm.s32 $0x7;
	v11 =	vsel vm6, s28, v13;
	v7 =	vsel vm4, v18, v7;
	v3 =	vld [tilespmem:s26+$0x180];
	s26 =	sadd.s32 $0x800, s26;
	vm8 =	vgt.f32 v9, v14  }
.LBB2_5:
0x82: {  	s30 =	sadd.s32 $0xFFFFFFFF, s24  }
0x83: {  	v16 =	vld [tilespmem:s25+$0xFFFFFE00];
	p0 =	sne.s32 s24, $0x3F;
	v12 =	vsel vm2, s28, v12;
	v14 =	vsel vm8, v9, v14;
	s29 =	smov.u32 s24;
	s24 =	sadd.s32 $0x8, s24  }
0x84: {  	v15 =	vsel vm7, s28, v15;
	v17 =	vld [tilespmem:s26+$0xFFFFFE00];
	v5 =	vsel vm1, v5, v12;
	v12 =	vsel vm0, s23, v4  }
0x85: {  	v10 =	vsel vm6, v6, v10;
	v13 =	vsel vm6, v13, v15;
	v18 =	vld [tilespmem:s26+$0x180];
	v5 =	vsel vm3, s23, v5  }
0x86: {  	vm6 =	vgt.f32 v9, v10;
	v6 =	vsel vm8, s23, v13;
	v15 =	vld [tilespmem:s25+$0xFFFFFE80];
	v4 =	vsel vm0, v4, v5  }
0x87: {  	v9 =	vsel vm6, v9, v10;
	v19 =	vsel vm4, s22, v12;
	v13 =	vsel vm6, v11, v6;
	v5 =	vld [tilespmem:s26+$0xFFFFFE80]  }
0x88: {  	v11 =	vsel vm6, s23, v11;
	vm1 =	vgt.f32 v3, v9;
	s23 =	smov.u32 s30;
	vm2 =	vgt.f32 v16, v7;
	v6 =	vld [tilespmem:s26+$0xFFFFFF00]  }
0x89: {  	v21 =	vsel vm1, v3, v9;
	vm0 =	vgt.f32 v16, v8;
	v7 =	vsel vm2, v16, v7;
	v20 =	vld [tilespmem:s25+$0xFFFFFF00]  }
0x8a: {  	s30 =	sadd.s32 $0xFFFFFFF9, s29;
	v22 =	vsel vm1, s22, v11;
	vm3 =	vgt.f32 v17, v21;
	v7 =	vsel vm0, v8, v7  }
0x8b: {  	v4 =	vsel vm5, s22, v4;
	v8 =	vsel vm0, v16, v8;
	vm11 =	vgt.f32 v15, v7  }
0x8c: {  	v16 =	vsel vm3, s30, v22;
	vm10 =	vgt.f32 v15, v8;
	v7 =	vsel vm11, v15, v7;
	v23 =	vld [tilespmem:s25+$0xFFFFFF80]  }
0x8d: {  	s28 =	sadd.s32 $0xFFFFFFFA, s29;
	v4 =	vsel vm4, v12, v4;
	v24 =	vsel vm3, v17, v21;
	v7 =	vsel vm10, v8, v7  }
0x8e: {  	v10 =	vsel vm6, v10, v14;
	v8 =	vsel vm10, v15, v8;
	vm4 =	vgt.f32 v20, v7  }
0x8f: {  	vm13 =	vgt.f32 v3, v10;
	vm5 =	vgt.f32 v20, v8;
	v7 =	vsel vm4, v20, v7;
	v12 =	vld [tilespmem:s25+$0x0]  }
0x90: {  	v10 =	vsel vm13, v3, v10;
	v3 =	vmovc v18;
	v7 =	vsel vm5, v8, v7;
	v8 =	vsel vm5, v20, v8  }
0x91: {  	v9 =	vsel vm1, v9, v10;
	vm12 =	vgt.f32 v5, v24;
	vm9 =	vgt.f32 v23, v7  }
0x92: {  	vm14 =	vgt.f32 v17, v9;
	vm8 =	vgt.f32 v23, v8;
	v7 =	vsel vm9, v23, v7;
	v10 =	vld [tilespmem:s25+$0x80]  }
0x93: {  	v14 =	vsel vm0, s30, v19;
	v7 =	vsel vm8, v8, v7;
	v8 =	vsel vm8, v23, v8  }
0x94: {  	v4 =	vsel vm2, s30, v4;
	v9 =	vsel vm14, v17, v9;
	vm7 =	vgt.f32 v12, v7  }
0x95: {  	v13 =	vsel vm13, s22, v13;
	s22 =	smov.u32 s29;
	vm6 =	vgt.f32 v12, v8;
	v7 =	vsel vm7, v12, v7;
	v15 =	vld [tilespmem:s25+$0x100]  }
0x96: {  	v11 =	vsel vm1, v11, v13;
	v17 =	vsel vm12, s28, v16;
	v7 =	vsel vm6, v8, v7  }
0x97: {  	v11 =	vsel vm14, s30, v11;
	v8 =	vsel vm6, v12, v8;
	vm2 =	vgt.f32 v10, v7  }
0x98: {  	v11 =	vsel vm3, v22, v11;
	vm1 =	vgt.f32 v10, v8;
	v7 =	vsel vm2, v10, v7  }
0x99: {  	v4 =	vsel vm0, v19, v4;
	v7 =	vsel vm1, v8, v7;
	v8 =	vsel vm1, v10, v8  }
0x9a: {  	v9 =	vsel vm3, v21, v9;
	vm0 =	vgt.f32 v15, v8;
	vm3 =	vgt.f32 v15, v7  }
0x9b: {  	vm13 =	vgt.f32 v5, v9;
	v10 =	vsel vm12, v5, v24;
	v7 =	vsel vm3, v15, v7;
	v18 =	vld [tilespmem:s25+$0x180]  }
0x9c: {  	v4 =	vsel vm11, s28, v4;
	v11 =	vsel vm13, s28, v11;
	v7 =	vsel vm0, v8, v7  }
0x9d: {  	s29 =	sadd.s32 $0xFFFFFFFB, s22;
	v4 =	vsel vm10, v14, v4;
	v12 =	vsel vm10, s28, v14;
	vm10 =	vgt.f32 v6, v10  }
0x9e: {  	s30 =	sadd.s32 $0xFFFFFFFC, s22;
	v5 =	vsel vm13, v5, v9;
	v9 =	vsel vm12, v16, v11;
	v11 =	vsel vm5, s29, v12  }
0x9f: {  	s31 =	sadd.s32 $0xFFFFFFFD, s22;
	v4 =	vsel vm4, s29, v4;
	v14 =	vsel vm8, s30, v11;
	v8 =	vsel vm0, v15, v8;
	v13 =	vld [tilespmem:s26+$0xFFFFFF80]  }
0xa0: {  	s28 =	sadd.s32 $0xFFFFFFFE, s22;
	v15 =	vsel vm12, v24, v5;
	v5 =	vsel vm6, s31, v14;
	vm4 =	vgt.f32 v18, v8  }
0xa1: {  	v12 =	vsel vm5, v12, v4;
	vm11 =	vgt.f32 v6, v15;
	v4 =	vsel vm1, s28, v5  }
0xa2: {  	v12 =	vsel vm9, s30, v12;
	v15 =	vsel vm11, v6, v15;
	v9 =	vsel vm11, s29, v9;
	v16 =	vld [tilespmem:s26+$0x0]  }
0xa3: {  	v11 =	vsel vm8, v11, v12;
	v15 =	vsel vm10, v10, v15;
	v9 =	vsel vm10, v17, v9  }
0xa4: {  	v10 =	vsel vm10, v6, v10;
	v17 =	vsel vm10, s29, v17;
	vm5 =	vgt.f32 v13, v15  }
0xa5: {  	vm8 =	vgt.f32 v13, v10;
	v12 =	vsel vm5, v13, v15;
	v9 =	vsel vm5, s30, v9;
	v6 =	vld [tilespmem:s26+$0x80]  }
0xa6: {  	v15 =	vsel vm8, v10, v12;
	v19 =	vsel vm8, v17, v9;
	v9 =	vsel vm7, s31, v11  }
0xa7: {  	v10 =	vsel vm8, v13, v10;
	vm9 =	vgt.f32 v16, v15;
	v12 =	vsel vm6, v14, v9  }
0xa8: {  	v17 =	vsel vm8, s30, v17;
	vm8 =	vgt.f32 v16, v10;
	v11 =	vsel vm9, v16, v15;
	v9 =	vld [tilespmem:s26+$0x100]  }
.Ltmp1:
0xa9: {  	v13 =	vsel vm8, s31, v17;
	v11 =	vsel vm8, v10, v11;
	v10 =	vsel vm8, v16, v10;
	(pc) =	sbr.rel @p0 .LBB2_5-.Ltmp1, $4  }
0xaa: {  	vm5 =	vgt.f32 v18, v7;
	vm6 =	vgt.f32 v6, v10;
	vm7 =	vgt.f32 v6, v11  }
0xab: {  	v7 =	vsel vm5, v18, v7;
	v15 =	vsel vm9, s31, v19;
	v11 =	vsel vm7, v6, v11  }
0xac: {  	v7 =	vsel vm4, v8, v7;
	v14 =	vsel vm6, v10, v11;
	v11 =	vsel vm6, s28, v13  }
0xad: {  	s25 =	sadd.s32 $0x800, s25;
	v8 =	vsel vm4, v18, v8;
	s26 =	sadd.s32 $0x800, s26;
	v15 =	vsel vm8, v17, v15;
	vm8 =	vgt.f32 v9, v14  }
0xae: {  	v12 =	vsel vm2, s28, v12;
	v14 =	vsel vm8, v9, v14  }
0xaf: {  	v15 =	vsel vm7, s28, v15;
	v41 =	vsel vm0, s23, v4;
	v6 =	vsel vm6, v6, v10  }
0xb0: {  	v48 =	vmov s21;
	v49 =	vor.u32 s21, v1;
	v53 =	vmov s20  }
0xb1: {  	v60 =	vor.u32 s20, v1;
	v5 =	vsel vm1, v5, v12;
	v13 =	vsel vm6, v13, v15  }
0xb2: {  	vm13 =	vgt.f32 v9, v6;
	v45 =	vsel vm4, s22, v41;
	v12 =	vand.u32 $0x6F, v49  }
0xb3: {  	v56 =	vshll.u32 v53, $0x3;
	v5 =	vsel vm3, s23, v5;
	v42 =	vsel vm8, s23, v13  }
0xb4: {  	v9 =	vsel vm13, v9, v6;
	v6 =	vsel vm13, v6, v14;
	v46 =	vsel vm13, s23, v11  }
0xb5: {  	v55 =	vshll.u32 v45, $0x8;
	v10 =	vshll.u32 v45, $0x7;
	v43 =	vsel vm0, v4, v5  }
0xb6: {  	v44 =	vsel vm13, v11, v42;
	vm14 =	vgt.f32 v3, v6;
	vm15 =	vgt.f32 v3, v9  }
0xb7: {  	v11 =	vshll.u32 v48, $0x3;
	v57 =	vand.u32 $0x380, v10;
	v4 =	vsel vm5, s22, v43  }
0xb8: {  	v5 =	vsel vm14, s22, v44;
	v47 =	vsel vm15, s22, v46;
	v11 =	vand.u32 $0x400, v11  }
0xb9: {  	v61 =	vsel vm15, v3, v9;
	v4 =	vsel vm4, v41, v4;
	v50 =	vshll.u32 v47, $0x8  }
0xba: {  	v5 =	vsel vm15, v46, v5;
	v13 =	vshll.u32 v47, $0x7;
	v14 =	vand.u32 $0xFFFFF800, v50  }
0xbb: {  	v51 =	vand.u32 $0x380, v13;
	v16 =	vshll.u32 v5, $0x8;
	v5 =	vshll.u32 v5, $0x7  }
0xbc: {  	v14 =	vor.u32 v14, v51;
	v52 =	vand.u32 $0xFFFFF800, v16;
	v5 =	vand.u32 $0x380, v5  }
0xbd: {  	v58 =	vshll.u32 v4, $0x8;
	v5 =	vor.u32 v52, v5;
	v14 =	vor.u32 v11, v14  }
0xbe: {  	v4 =	vshll.u32 v4, $0x7;
	v5 =	vor.u32 v11, v5;
	v54 =	vor.u32 v12, v14  }
0xbf: {  	v59 =	vand.u32 $0xFFFFF800, v58;
	v5 =	vor.u32 v12, v5;
	v12 =	vand.u32 $0xFFFFF800, v55  }
0xc0: {  	v4 =	vand.u32 $0x380, v4;
	v14 =	vand.u32 $0x400, v56;
	v12 =	vor.u32 v12, v57  }
0xc1: {  	v16 =	vand.u32 $0x7F, v60;
	v4 =	vor.u32 v59, v4;
	v12 =	vor.u32 v14, v12  }
0xc2: {  	v3 =	vsel vm14, v3, v6;
	v4 =	vor.u32 v14, v4;
	v62 =	vor.u32 v16, v12  }
0xc3: {  	v3 =	vsel vm15, v9, v3;
	v4 =	vor.u32 v16, v4;
	[tilespmem:v54+s11+$0x0] =	vst.idx.msk $0xffff, v61  }
0xc4: {  	[tilespmem:v5+s11+$0x0] =	vst.idx.msk $0xffff, v3  }
0xc5: {  	[tilespmem:v54+s12+$0x0] =	vst.idx.msk $0xffff, v2  }
0xc6: {  	s19 =	sadd.s32 $0x1, s19;
	v3 =	vor.u32 v1, v13;
	[tilespmem:v5+s12+$0x0] =	vst.idx.msk $0xffff, v2  }
0xc7: {  	p0 =	sne.s32 s19, $0x8;
	v63 =	vor.u32 v1, v10;
	[tilespmem:v62+s11+$0x0] =	vst.idx.msk $0xffff, v8  }
.Ltmp2:
0xc8: {  	[tilespmem:v4+s11+$0x0] =	vst.idx.msk $0xffff, v7;
	(pc) =	sbr.rel @p0 .LBB2_4-.Ltmp2, $4  }
0xc9: {  	[tilespmem:v62+s12+$0x0] =	vst.idx.msk $0xffff, v2  }
0xca: {  	[tilespmem:v4+s12+$0x0] =	vst.idx.msk $0xffff, v2  }
0xcb: {  	[tilespmem:v3+s13+$0x0] =	vst.idx.add.f32.msk $0xffff, v2  }
0xcc: {  	s18 =	sadd.s32 $0x100, s18;
	s17 =	sadd.s32 $0x2, s17;
	s16 =	sadd.s32 $0x1, s16;
	[tilespmem:v63+s13+$0x0] =	vst.idx.add.f32.msk $0xffff, v2  }
0xcd: {  	[hbm4b:s4+s8] =	stream.strided.scatter [tilespmem:s11], [sflag:$0x1], $0x4000, s9, s8, $0x38;
	[tilespmem:$0xE000] =	vst v63  }
0xce: {  	_ = 	snop  }
0xcf: {  	[hbm4b:s5+s8] =	stream.strided.scatter [tilespmem:s12], [sflag:$0x1], $0x4000, s9, s8, $0x38;
	[tilespmem:$0xE000] =	vst v63  }
0xd0: {  	_ =	swait.ge [sflag:s10], $0x4000  }
0xd1: {  	[sflag:s10] =	ssyncset.done $0x0  }
0xd2: {  	[sflag:s10] =	ssyncadd.s32 $0xFFFFC000  }
0xd3: {  	s15 =	sadd.s32 $0x1, s15;
	_ =	swait.ge [sflag:s10], $0x4000  }
0xd4: {  	p0 =	sne.s32 s15, s7;
	[sflag:s10] =	ssyncset.done $0x0  }
.Ltmp3:
0xd5: {  	[sflag:s10] =	ssyncadd.s32 $0xFFFFC000;
	(pc) =	sbr.rel @p0 .LBB2_1-.Ltmp3, $4  }
0xd6: {  	[hbm4b:s6+s2] =	stream.linear.scatter [tilespmem:s13], [sflag:$0x2], $0x2000, $0x38;
	[tilespmem:$0xE000] =	vst v63  }
0xd7: {  	_ =	swait.ge [sflag:s14], $0x2000  }
0xd8: {  	[sflag:s14] =	ssyncset.done $0x0  }
0xd9: {  	[sflag:s14] =	ssyncadd.s32 $0xFFFFE000  }
0xda: {  	_ =	sfence.sel $0x180000  }
0xdb: {  	[bflag:$0x0] =	sbarrier.arrive $0xFFFF  }
0xdc: {  	p0 =	sne.s32 s1, $0x0;
	_ =	strace $0x90000047  }
0xdd: {  	s0 =	sadd.s32 @!p0 $0x100000, s0;
	[bflag:$0x2] =	sbarrier.arrive $0xFFFF  }
0xde: {  	[sflag:s0] =	ssyncadd.tile.s32 @!p0 $0x1;
	_ =	shalt  }
.Lfunc_end2:
_tile_overlayer_lowered:
.L_overlay_start_2:
0xdf: {  	(tag) =	ssettag $0x2  }
0xe0: {  	s0 =	rddreg [dreg:$0x0];
	s2 =	stileid.u32  }
0xe1: {  	s1 =	rddreg [dreg:$0x1];
	p0 =	sne.s32 s2, $0x0  }
0xe2: {  	s3 =	rddreg [dreg:$0x2];
	[bflag:$0x3] =	sbarrier.arrive $0xFFFF;
	s2 =	simm.s32 @!p0 $0x1C02  }
0xe3: {  	[timem:s3], [sflag:s2] =	dma.local @!p0 [hbm:s0], s1  }
0xe4: {  	s0 =	simm.s32 @!p0 $0x2  }
0xe5: {  	_ =	swait.ge @!p0 [sflag:s0], s1  }
0xe6: {  	s1 =	ssub.s32 @!p0 $0x0, s1;
	[sflag:s0] =	ssyncset.done @!p0 $0x0  }
0xe7: {  	[sflag:s0] =	ssyncadd.s32 @!p0 s1  }
0xe8: {  	[bflag:$0x3] =	sbarrier.arrive $0xFFFF  }
0xe9: {  	_ =	shalt  }

</sc_bundles>
